<compile_context>
chip_gen: v7x
topology: tpu7x:2x2x1
jax: 0.10.2.dev20260603
libtpu: 0.0.44.dev20260713+nightly
codegen_flags: <defaults>
</compile_context>

<pallas_src>
import jax, jax.numpy as jnp
import numpy as np
from jax.experimental import pallas as pl

PTS_SIZE = 128
NUM_CLASSES = 14
KNN = (16, 48, 48, 24)
DOWNSAMPLE = (2, 2, 2)
HIDDEN = 256
TOPK = 16
EPS = 1e-5


def _bn(x):
    return x / np.sqrt(1.0 + EPS)


def _conv1x1(x, W, b):
    return jnp.einsum('bchw,cd->bdhw', x, W) + b[None, :, None, None]


def _st_group(x, k):
    B, C, T, N = x.shape
    tm1 = jnp.concatenate([x[:, :, :1], x[:, :, :-1]], axis=2)
    tp1 = jnp.concatenate([x[:, :, 1:], x[:, :, -1:]], axis=2)
    cand = jnp.concatenate([tm1, x, tp1], axis=3)
    d = jnp.sum((x[:, :3, :, :, None] - cand[:, :3, :, None, :]) ** 2, axis=1)
    idx = jax.lax.top_k(-d, k)[1]
    nb = jnp.take_along_axis(cand[:, :, :, None, :], idx[:, None, :, :, :], axis=4)
    off = nb[:, :4] - x[:, :4, :, :, None]
    ctr = jnp.broadcast_to(x[:, 4:, :, :, None], (B, C - 4, T, N, k))
    return jnp.concatenate([off, ctr, nb[:, 4:]], axis=1)


def _select_ind(g, x, pts):
    w = jnp.max(jnp.sum(g[:, :3] ** 2, axis=1), axis=-1)
    ind = jax.lax.top_k(w, pts)[1]
    ret = jnp.take_along_axis(g, ind[:, None, :, :, None], axis=3)
    ret = ret.reshape(g.shape[0], g.shape[1], -1, g.shape[-1])
    x2 = jnp.take_along_axis(x, ind[:, None, :, :], axis=3)
    return ret, x2, ind


def _motion_block(g, wp, bp, wf, bf, wo, bo):
    pos, fea = g[:, :4], g[:, 4:]
    wgt = jax.nn.relu(_bn(_conv1x1(pos, wp, bp)))
    f = jax.nn.relu(_bn(_conv1x1(fea, wf, bf)))
    return jax.nn.relu(_bn(_conv1x1(wgt * f, wo, bo)))


def _point_lstm(fea, Wl, bl):
    B, C, T, N = fea.shape
    P = jnp.moveaxis(fea[:, :4], 2, 0)
    X = jnp.moveaxis(fea[:, 4:], 2, 0)
    h0 = jnp.zeros((B, HIDDEN, N), fea.dtype)
    c0 = jnp.zeros((B, HIDDEN, N), fea.dtype)

    def step(carry, t_in):
        h_prev, c_prev, p_prev = carry
        p_t, x_t = t_in
        d = jnp.sum((p_t[:, :3, :, None] - p_prev[:, :3, None, :]) ** 2, axis=1)
        idx = jax.lax.top_k(-d, TOPK)[1]
        h_nb = jnp.take_along_axis(h_prev[:, :, None, :], idx[:, None], axis=3)
        c_nb = jnp.take_along_axis(c_prev[:, :, None, :], idx[:, None], axis=3)
        p_nb = jnp.take_along_axis(p_prev[:, :, None, :], idx[:, None], axis=3)
        off = p_nb - p_t[:, :, :, None]
        x_tile = jnp.broadcast_to(x_t[:, :, :, None], (B, C - 4, N, TOPK))
        g_in = jnp.concatenate([off, x_tile, h_nb], axis=1)
        gates = jnp.einsum('bcnk,cd->bdnk', g_in, Wl) + bl[None, :, None, None]
        i, f, o, g = jnp.split(gates, 4, axis=1)
        c_new = jax.nn.sigmoid(f) * c_nb + jax.nn.sigmoid(i) * jnp.tanh(g)
        h_new = jax.nn.sigmoid(o) * jnp.tanh(c_new)
        h_t = jnp.max(h_new, axis=-1)
        c_t = jnp.max(c_new, axis=-1)
        return (h_t, c_t, p_t), h_t

    (_, _, _), hs = jax.lax.scan(step, (h0, c0, P[0]), (P, X))
    return jnp.transpose(hs, (1, 2, 0, 3))


def _noop_pallas(x):
    def body(x_ref, o_ref):
        o_ref[...] = x_ref[...]
    return pl.pallas_call(body, out_shape=jax.ShapeDtypeStruct(x.shape, x.dtype))(x)


def kernel(inputs, w1a, b1a, w1b, b1b, wp2, bp2, wf2, bf2, wo2, bo2, wl, bl,
           wp4, bp4, wf4, bf4, wo4, bo4, w5, b5, w6, b6):
    x = jnp.transpose(inputs, (0, 3, 1, 2))
    x = x[:, :, :, ::x.shape[3] // PTS_SIZE]
    x = x[:, :4]
    B, _, T, N = x.shape
    d = jnp.sum((x[:, :3, :, :, None] - x[:, :3, :, None, :]) ** 2, axis=1)
    idx = jax.lax.top_k(-d, KNN[0])[1]
    nb = jnp.take_along_axis(x[:, :, :, None, :], idx[:, None, :, :, :], axis=4)
    ret1 = jnp.concatenate([nb[:, :3] - x[:, :3, :, :, None], nb[:, 3:4]], axis=1)
    ret1 = ret1.reshape(B, 4, T * N, KNN[0])
    f1 = jax.nn.relu(_bn(_conv1x1(ret1, w1a, b1a)))
    f1 = jax.nn.relu(_bn(_conv1x1(f1, w1b, b1b)))
    f1 = jnp.max(f1, axis=-1).reshape(B, 64, T, N)
    fea1 = jnp.concatenate([x, f1], axis=1)
    pts = N // DOWNSAMPLE[0]
    g2 = _st_group(fea1, KNN[1])
    ret2, x, _ = _select_ind(g2, x, pts)
    f2 = _motion_block(ret2, wp2, bp2, wf2, bf2, wo2, bo2)
    f2 = jnp.max(f2, axis=-1).reshape(B, 128, T, pts)
    fea2 = jnp.concatenate([x, f2], axis=1)
    fea3 = _point_lstm(fea2, wl, bl)
    pts2 = pts // DOWNSAMPLE[1]
    g3 = _st_group(fea2, KNN[2])
    _, x, ind = _select_ind(g3, x, pts2)
    fea3 = jnp.take_along_axis(fea3, jnp.broadcast_to(ind[:, None], (B, HIDDEN, T, pts2)), axis=3)
    pts3 = pts2 // DOWNSAMPLE[2]
    g4 = _st_group(fea3, KNN[3])
    ret4, x, _ = _select_ind(g4, x, pts3)
    f4 = _motion_block(ret4, wp4, bp4, wf4, bf4, wo4, bo4)
    f4 = jnp.max(f4, axis=-1).reshape(B, 512, T, pts3)
    out = jax.nn.relu(_bn(_conv1x1(f4, w5, b5)))
    out = jnp.max(out, axis=(2, 3), keepdims=True)
    out = _bn(out)
    out = _conv1x1(out, w6, b6)
    out = _noop_pallas(out)
    return out.reshape(B, NUM_CLASSES)

# --- scband reference (transcript-rebuilt; emitter-appended) ---
"""Pipeline reference for scband-motion-49014166782143 (READ-ONLY COPY).

The authoritative reference and input builder live on the scoring server;
editing this copy changes nothing except your own understanding.
"""

import jax, jax.numpy as jnp
import numpy as np

PTS_SIZE = 128
NUM_CLASSES = 14
KNN = (16, 48, 48, 24)
DOWNSAMPLE = (2, 2, 2)
HIDDEN = 256
TOPK = 16
EPS = 1e-5


def bn(x):
    # eval-mode BatchNorm with default running stats (mean=0, var=1, gamma=1, beta=0)
    return x / np.sqrt(1.0 + EPS)


def conv1x1(x, W, b):
    # x: (B, C, H, W_); 1x1 Conv2d as channel matmul
    return jnp.einsum('bchw,cd->bdhw', x, W) + b[None, :, None, None]


def st_group(x, k):
    # spatio-temporal knn grouping over frames (t-1, t, t+1), distance on channels 0:3
    B, C, T, N = x.shape
    tm1 = jnp.concatenate([x[:, :, :1], x[:, :, :-1]], axis=2)
    tp1 = jnp.concatenate([x[:, :, 1:], x[:, :, -1:]], axis=2)
    cand = jnp.concatenate([tm1, x, tp1], axis=3)  # (B,C,T,3N)
    d = jnp.sum((x[:, :3, :, :, None] - cand[:, :3, :, None, :]) ** 2, axis=1)  # (B,T,N,3N)
    idx = jax.lax.top_k(-d, k)[1]  # (B,T,N,k)
    nb = jnp.take_along_axis(cand[:, :, :, None, :], idx[:, None, :, :, :], axis=4)  # (B,C,T,N,k)
    off = nb[:, :4] - x[:, :4, :, :, None]
    ctr = jnp.broadcast_to(x[:, 4:, :, :, None], (B, C - 4, T, N, k))
    return jnp.concatenate([off, ctr, nb[:, 4:]], axis=1)  # (B, 2C-4, T, N, k)


def select_ind(g, x, pts):
    # weight_select: max over knn of squared offset norm, keep top-pts points
    w = jnp.max(jnp.sum(g[:, :3] ** 2, axis=1), axis=-1)  # (B,T,N)
    ind = jax.lax.top_k(w, pts)[1]  # (B,T,pts)
    ret = jnp.take_along_axis(g, ind[:, None, :, :, None], axis=3)  # (B,C,T,pts,k)
    ret = ret.reshape(g.shape[0], g.shape[1], -1, g.shape[-1])
    x2 = jnp.take_along_axis(x, ind[:, None, :, :], axis=3)  # (B,4,T,pts)
    return ret, x2, ind


def motion_block(g, wp, bp, wf, bf, wo, bo):
    pos, fea = g[:, :4], g[:, 4:]
    wgt = jax.nn.relu(bn(conv1x1(pos, wp, bp)))
    f = jax.nn.relu(bn(conv1x1(fea, wf, bf)))
    return jax.nn.relu(bn(conv1x1(wgt * f, wo, bo)))


def point_lstm(fea, Wl, bl):
    # fea: (B, C=132, T, N); PointLSTM cell: gather topk neighbor states from t-1,
    # gate on [offset(4), point features, neighbor hidden], max-pool over neighbors
    B, C, T, N = fea.shape
    P = jnp.moveaxis(fea[:, :4], 2, 0)   # (T,B,4,N)
    X = jnp.moveaxis(fea[:, 4:], 2, 0)   # (T,B,C-4,N)
    h0 = jnp.zeros((B, HIDDEN, N), fea.dtype)
    c0 = jnp.zeros((B, HIDDEN, N), fea.dtype)

    def step(carry, t_in):
        h_prev, c_prev, p_prev = carry
        p_t, x_t = t_in
        d = jnp.sum((p_t[:, :3, :, None] - p_prev[:, :3, None, :]) ** 2, axis=1)  # (B,N,N)
        idx = jax.lax.top_k(-d, TOPK)[1]  # (B,N,k)
        h_nb = jnp.take_along_axis(h_prev[:, :, None, :], idx[:, None], axis=3)  # (B,H,N,k)
        c_nb = jnp.take_along_axis(c_prev[:, :, None, :], idx[:, None], axis=3)
        p_nb = jnp.take_along_axis(p_prev[:, :, None, :], idx[:, None], axis=3)  # (B,4,N,k)
        off = p_nb - p_t[:, :, :, None]
        x_tile = jnp.broadcast_to(x_t[:, :, :, None], (B, C - 4, N, TOPK))
        g_in = jnp.concatenate([off, x_tile, h_nb], axis=1)  # (B, 4+(C-4)+H, N, k)
        gates = jnp.einsum('bcnk,cd->bdnk', g_in, Wl) + bl[None, :, None, None]
        i, f, o, g = jnp.split(gates, 4, axis=1)
        c_new = jax.nn.sigmoid(f) * c_nb + jax.nn.sigmoid(i) * jnp.tanh(g)
        h_new = jax.nn.sigmoid(o) * jnp.tanh(c_new)
        h_t = jnp.max(h_new, axis=-1)
        c_t = jnp.max(c_new, axis=-1)
        return (h_t, c_t, p_t), h_t

    (_, _, _), hs = jax.lax.scan(step, (h0, c0, P[0]), (P, X))
    return jnp.transpose(hs, (1, 2, 0, 3))  # (B,HIDDEN,T,N)


def motion_forward(inputs, w1a, b1a, w1b, b1b, wp2, bp2, wf2, bf2, wo2, bo2, wl, bl,
                   wp4, bp4, wf4, bf4, wo4, bo4, w5, b5, w6, b6):
    x = jnp.transpose(inputs, (0, 3, 1, 2))  # (B, C, T, N)
    x = x[:, :, :, ::x.shape[3] // PTS_SIZE]  # eval-mode subsampling
    x = x[:, :4]
    B, _, T, N = x.shape
    # stage1: within-frame knn grouping (4 relative channels)
    d = jnp.sum((x[:, :3, :, :, None] - x[:, :3, :, None, :]) ** 2, axis=1)  # (B,T,N,N)
    idx = jax.lax.top_k(-d, KNN[0])[1]
    nb = jnp.take_along_axis(x[:, :, :, None, :], idx[:, None, :, :, :], axis=4)  # (B,4,T,N,k)
    ret1 = jnp.concatenate([nb[:, :3] - x[:, :3, :, :, None], nb[:, 3:4]], axis=1)
    ret1 = ret1.reshape(B, 4, T * N, KNN[0])
    f1 = jax.nn.relu(bn(conv1x1(ret1, w1a, b1a)))
    f1 = jax.nn.relu(bn(conv1x1(f1, w1b, b1b)))
    f1 = jnp.max(f1, axis=-1).reshape(B, 64, T, N)
    fea1 = jnp.concatenate([x, f1], axis=1)  # (B,68,T,N)
    # stage2
    pts = N // DOWNSAMPLE[0]
    g2 = st_group(fea1, KNN[1])  # (B,132,T,N,48)
    ret2, x, _ = select_ind(g2, x, pts)
    f2 = motion_block(ret2, wp2, bp2, wf2, bf2, wo2, bo2)
    f2 = jnp.max(f2, axis=-1).reshape(B, 128, T, pts)
    fea2 = jnp.concatenate([x, f2], axis=1)  # (B,132,T,pts)
    # PointLSTM
    fea3 = point_lstm(fea2, wl, bl)  # (B,256,T,pts)
    # stage3 selection (grouping used only for point selection)
    pts2 = pts // DOWNSAMPLE[1]
    g3 = st_group(fea2, KNN[2])
    _, x, ind = select_ind(g3, x, pts2)
    fea3 = jnp.take_along_axis(fea3, jnp.broadcast_to(ind[:, None], (B, HIDDEN, T, pts2)), axis=3)
    # stage4
    pts3 = pts2 // DOWNSAMPLE[2]
    g4 = st_group(fea3, KNN[3])  # (B,508,T,pts2,24)
    ret4, x, _ = select_ind(g4, x, pts3)
    f4 = motion_block(ret4, wp4, bp4, wf4, bf4, wo4, bo4)
    f4 = jnp.max(f4, axis=-1).reshape(B, 512, T, pts3)
    out = jax.nn.relu(bn(conv1x1(f4, w5, b5)))  # stage5
    out = jnp.max(out, axis=(2, 3), keepdims=True)  # pool5 (1,1)
    out = bn(out)  # global_bn
    out = conv1x1(out, w6, b6)  # stage6, with_bn=False
    return out.reshape(B, NUM_CLASSES)


def setup_inputs(seed: int = 0):
    key = jax.random.key(seed)
    ks = jax.random.split(key, 16)
    def w(k, shape):
        return jax.random.normal(k, shape, dtype=jnp.float32) * 0.05
    z = lambda n: jnp.zeros((n,), jnp.float32)
    return {
        "inputs": jax.random.normal(ks[0], (2, 16, 128, 4), dtype=jnp.float32),
        "w1a": w(ks[1], (4, 32)), "b1a": z(32),
        "w1b": w(ks[2], (32, 64)), "b1b": z(64),
        "wp2": w(ks[3], (4, 128)), "bp2": z(128),
        "wf2": w(ks[4], (128, 128)), "bf2": z(128),
        "wo2": w(ks[5], (128, 128)), "bo2": z(128),
        "wl": w(ks[6], (388, 1024)), "bl": z(1024),
        "wp4": w(ks[7], (4, 512)), "bp4": z(512),
        "wf4": w(ks[8], (504, 512)), "bf4": z(512),
        "wo4": w(ks[9], (512, 512)), "bo4": z(512),
        "w5": w(ks[10], (512, 1024)), "b5": z(1024),
        "w6": w(ks[11], (1024, 14)), "b6": z(14),
    }


def reference(inputs, w1a, b1a, w1b, b1b, wp2, bp2, wf2, bf2, wo2, bo2, wl, bl,
              wp4, bp4, wf4, bf4, wo4, bo4, w5, b5, w6, b6):
    return motion_forward(inputs, w1a, b1a, w1b, b1b, wp2, bp2, wf2, bf2, wo2, bo2, wl, bl,
                          wp4, bp4, wf4, bf4, wo4, bo4, w5, b5, w6, b6)

if __name__ == "__main__":
    import jax
    _d = setup_inputs()
    print(jax.jit(kernel)(*tuple(_d.values())))

</pallas_src>

<mosaic_0001>
module attributes {stable_mosaic.version = 14 : i64} {
  func.func @body(%arg0: memref<2x14x1x1xf32, #tpu.memory_space<vmem>>, %arg1: memref<2x14x1x1xf32, #tpu.memory_space<vmem>>) attributes {dimension_semantics = [], scalar_prefetch = 0 : i64, scratch_operands = 0 : i64, tpu.core_type = #tpu.core_type<tc>} {
    %get3A = arith.constant 0 : index
    %get3A_0 = arith.constant 0 : index
    %get3A_1 = arith.constant 0 : index
    %get3A_2 = arith.constant 0 : index
    %get3A_3 = vector.load %arg0[%get3A, %get3A_0, %get3A_1, %get3A_2] : memref<2x14x1x1xf32, #tpu.memory_space<vmem>>, vector<2x14x1x1xf32>
    %swap3A = arith.constant 0 : index
    %swap3A_4 = arith.constant 0 : index
    %swap3A_5 = arith.constant 0 : index
    %swap3A_6 = arith.constant 0 : index
    %swap3A_7 = vector.load %arg1[%swap3A, %swap3A_4, %swap3A_5, %swap3A_6] : memref<2x14x1x1xf32, #tpu.memory_space<vmem>>, vector<2x14x1x1xf32>
    tpu.vector_store %arg1[%swap3A, %swap3A_4, %swap3A_5, %swap3A_6], %get3A_3 {strides = array<i32>} : memref<2x14x1x1xf32, #tpu.memory_space<vmem>>, vector<2x14x1x1xf32>,
    return
  }
}

</mosaic_0001>

<sc_bundles>
// kernel: gather_offload_async_start.1
scs
__scs_entry_jumppad:
0x0: {  	(pc) =	sbr.rel $0x88, $3  }
0x1: {  	(tag) =	ssettag $0x0;
	lr =	simm.s32 $0x1  }
0x2: {  	[smem:$0x3F8A] =	sst lr;
	_ =	strace $0xD0000000  }
0x3: {  	_ = 	snop  }
0x4: {  	_ = 	snop  }
0x5: {  	_ = 	snop  }
0x6: {  	_ = 	snop  }
0x7: {  	_ = 	snop  }
__scs_overlays_trampoline_lowered:
0x8: {  	[smem:$0x3F99] =	sst s0  }
0x9: {  	[smem:$0x3F9A] =	sst s1  }
0xa: {  	[smem:$0x3F9B] =	sst s2  }
0xb: {  	[smem:$0x3F9C] =	sst s3  }
0xc: {  	[smem:$0x3F9D] =	sst s4  }
0xd: {  	[smem:$0x3F9E] =	sst s5  }
0xe: {  	[smem:$0x3F9F] =	sst s6  }
0xf: {  	[smem:$0x3FA0] =	sst s7  }
0x10: {  	[smem:$0x3FA1] =	sst s8  }
0x11: {  	[smem:$0x3FA2] =	sst s9;
	s0 =	simm.s32 @!p0 $0x0  }
0x12: {  	s1 =	sld [smem:$0x3F88];
	s0 =	simm.s32 @p0 $0x1  }
0x13: {  	[smem:$0x3FA3] =	sst s0;
	s0 =	simm.s32 @!p1 $0x0  }
0x14: {  	s2 =	sld [smem:$0x3F87];
	s0 =	simm.s32 @p1 $0x1  }
0x15: {  	[smem:$0x3FA4] =	sst s0;
	s0 =	simm.s32 @!p2 $0x0  }
0x16: {  	s3 =	sld [smem:$0x3FDB];
	s0 =	simm.s32 @p2 $0x1  }
0x17: {  	s4 =	simm.s32 $0x1BF5;
	[smem:$0x3FA6] =	sst s0  }
0x18: {  	s0 =	sld [smem:$0x3F89];
	_ =	swait.ge [sflag:s4], $0x0  }
0x19: {  	s7 =	sld [smem:$0x3F8A]  }
0x1a: {  	s8 =	sadd.s32 $0xFFFFE003, lr  }
0x1b: {  	s9 =	sadd.s32 $0xFFFFFEF7, lr;
	s5 =	simm.s32 $0xFFFFFFFF;
	p2 =	slt.u32 s8, $0xFFFFF086  }
0x1c: {  	p1 =	slt.u32 s9, $0xF7A;
	s5 =	simm.s32 @!p2 $0x0  }
0x1d: {  	s5 =	simm.s32 @p1 $0x1;
	p0 =	seq.s32 s7, s2  }
0x1e: {  	s7 =	smul.u32 @!p0 $0xF7A, s2;
	p2 =	seq.s32 @!p0 s5, $0x0  }
0x1f: {  	s9 =	smul.u32 $0xF7A, s1;
	s8 =	simm.s32 @!p0 $0x1BF5;
	p2 =	por !p2, p0  }
0x20: {  	[sflag:s8] =	ssyncset.s32 @!p0 $0xFFFFF086;
	s6 =	sadd.s32 @!p0 s3, s7;
	s7 =	simm.s32 @!p0 $0x108  }
0x21: {  	s3 =	sadd.s32 s3, s9;
	s6 =	sadd.s32 @!p0 $0x88, s6;
	s7 =	simm.s32 @p2 $0x1082  }
0x22: {  	[simem:s7], [sflag:s8] =	dma.local @!p0 [hbm:s6], $0xF7A  }
0x23: {  	s9 =	sor.u32 $0xD0000000, s2;
	s6 =	simm.s32 $0x108;
	_ =	swait.ge @!p0 [sflag:s8], $0x0  }
0x24: {  	s3 =	sadd.s32 $0x88, s3;
	s6 =	simm.s32 @!p1 $0x1082;
	[sflag:s4] =	ssyncset.s32 $0xFFFFF086  }
0x25: {  	[simem:s6], [sflag:s4] =	dma.local [hbm:s3], $0xF7A  }
0x26: {  	[smem:$0x3F8A] =	sst s1;
	(tag) =	ssettag s2;
	_ =	strace s9  }
0x27: {  	s1 =	sld [smem:$0x3F9A]  }
0x28: {  	s2 =	sld [smem:$0x3F9B]  }
0x29: {  	s4 =	sld [smem:$0x3F9D]  }
0x2a: {  	p0 =	seq.s32 s5, $0x0;
	s5 =	sld [smem:$0x3F9E]  }
0x2b: {  	s6 =	sld [smem:$0x3F9F]  }
0x2c: {  	s7 =	sld [smem:$0x3FA0]  }
0x2d: {  	s3 =	simm.s32 $0x108;
	s8 =	sld [smem:$0x3FA1]  }
0x2e: {  	s3 =	simm.s32 @!p0 $0x1082;
	s9 =	sld [smem:$0x3FA2]  }
0x2f: {  	lr =	sadd.s32 s0, s3;
	s0 =	sld [smem:$0x3F99]  }
0x30: {  	s3 =	sld [smem:$0x3F9C]  }
0x31: {  	[smem:$0x3FA5] =	sst s10  }
0x32: {  	s10 =	sld [smem:$0x3FA3];
	_ =	sdelay $0x3  }
0x33: {  	p0 =	seq.s32 s10, $0x1;
	s10 =	sld [smem:$0x3FA5];
	_ =	sdelay $0x3  }
0x34: {  	[smem:$0x3FA5] =	sst s10  }
0x35: {  	s10 =	sld [smem:$0x3FA4];
	_ =	sdelay $0x3  }
0x36: {  	p1 =	seq.s32 s10, $0x1;
	s10 =	sld [smem:$0x3FA5];
	_ =	sdelay $0x3  }
0x37: {  	[smem:$0x3FA5] =	sst s10  }
0x38: {  	s10 =	sld [smem:$0x3FA6]  }
0x39: {  	_ = 	snop;
	(pc) =	sbr.ind lr, $3  }
0x3a: {  	_ = 	snop  }
0x3b: {  	_ = 	snop  }
0x3c: {  	p2 =	seq.s32 s10, $0x1;
	s10 =	sld [smem:$0x3FA5]  }
0x3d: {  	_ =	shalt  }
0x3e: {  	_ =	shalt  }
0x3f: {  	_ =	shalt  }
0x40: {  	_ =	shalt  }
0x41: {  	_ =	shalt  }
0x42: {  	_ =	shalt  }
0x43: {  	_ =	shalt  }
0x44: {  	_ =	shalt  }
0x45: {  	_ =	shalt  }
0x46: {  	_ =	shalt  }
0x47: {  	_ =	shalt  }
0x48: {  	_ =	shalt  }
0x49: {  	_ =	shalt  }
0x4a: {  	_ =	shalt  }
0x4b: {  	_ =	shalt  }
0x4c: {  	_ =	shalt  }
0x4d: {  	_ =	shalt  }
0x4e: {  	_ =	shalt  }
0x4f: {  	_ =	shalt  }
0x50: {  	_ =	shalt  }
0x51: {  	_ =	shalt  }
0x52: {  	_ =	shalt  }
0x53: {  	_ =	shalt  }
0x54: {  	_ =	shalt  }
0x55: {  	_ =	shalt  }
0x56: {  	_ =	shalt  }
0x57: {  	_ =	shalt  }
0x58: {  	_ =	shalt  }
0x59: {  	_ =	shalt  }
0x5a: {  	_ =	shalt  }
0x5b: {  	_ =	shalt  }
0x5c: {  	_ =	shalt  }
0x5d: {  	_ =	shalt  }
0x5e: {  	_ =	shalt  }
0x5f: {  	_ =	shalt  }
0x60: {  	_ =	shalt  }
0x61: {  	_ =	shalt  }
0x62: {  	_ =	shalt  }
0x63: {  	_ =	shalt  }
0x64: {  	_ =	shalt  }
0x65: {  	_ =	shalt  }
0x66: {  	_ =	shalt  }
0x67: {  	_ =	shalt  }
0x68: {  	_ =	shalt  }
0x69: {  	_ =	shalt  }
0x6a: {  	_ =	shalt  }
0x6b: {  	_ =	shalt  }
0x6c: {  	_ =	shalt  }
0x6d: {  	_ =	shalt  }
0x6e: {  	_ =	shalt  }
0x6f: {  	_ =	shalt  }
0x70: {  	_ =	shalt  }
0x71: {  	_ =	shalt  }
0x72: {  	_ =	shalt  }
0x73: {  	_ =	shalt  }
0x74: {  	_ =	shalt  }
0x75: {  	_ =	shalt  }
0x76: {  	_ =	shalt  }
0x77: {  	_ =	shalt  }
0x78: {  	_ =	shalt  }
0x79: {  	_ =	shalt  }
0x7a: {  	_ =	shalt  }
0x7b: {  	_ =	shalt  }
0x7c: {  	_ =	shalt  }
0x7d: {  	_ =	shalt  }
0x7e: {  	_ =	shalt  }
0x7f: {  	_ =	shalt  }
0x80: {  	_ =	shalt  }
0x81: {  	_ =	shalt  }
0x82: {  	_ =	shalt  }
0x83: {  	_ =	shalt  }
0x84: {  	_ =	shalt  }
0x85: {  	_ =	shalt  }
0x86: {  	_ =	shalt  }
0x87: {  	_ =	shalt  }
.Lfunc_end0:
.L_simem_size_0:
called_computation.1_lowered:
.L_overlay_start_0:
0x88: {  	s2 =	sld [smem:$0x3FD9]  }
0x89: {  	s3 =	sld [smem:$0x3FFE];
	_ =	sdelay $0x1  }
0x8a: {  	s1 =	srdreg.scid  }
0x8b: {  	s0 =	sand.u32 $0x1, s1  }
0x8c: {  	s16 =	sshll.u32 s0, $0xA;
	s2 =	sadd.s32 s3, s2  }
0x8d: {  	s2 =	sadd.s32 s2, s16  }
0x8e: {  	[smem:$0x3FB1] =	sst s2  }
0x8f: {  	_ = 	snop  }
0x90: {  	(tm) =	ssettm $0x1  }
0x91: {  	s17 =	sld [smem:$0x3FFB];
	_ =	sdelay $0x3  }
0x92: {  	_ =	strace s17  }
0x93: {  	s2 =	sld [smem:$0x3FFC];
	_ =	sdelay $0x3  }
0x94: {  	_ =	strace s2  }
0x95: {  	s2 =	sld [smem:$0x3FFD];
	_ =	sdelay $0x3  }
0x96: {  	_ =	strace s2  }
0x97: {  	_ =	strace $0x8FFFFFFF  }
0x98: {  	s18 =	sld [smem:$0x3FDB];
	_ =	sdelay $0x1  }
0x99: {  	s19 =	simm.s32 $_scs_section_size  }
0x9a: {  	s4 =	simm.s32 $_size__tile_overlayer_lowered;
	s5 =	simm.s32 $_tile_overlayer_lowered  }
0x9b: {  	s22 =	simm.s32 $0x1BFF;
	s21 =	sshll.u32 s5, $0x1;
	s2 =	sadd.s32 s19, s18  }
0x9c: {  	s6 =	simm.s32 $0x0;
	s20 =	sshll.u32 s4, $0x1;
	s4 =	sadd.s32 s21, s2  }
0x9d: {  	[timem:s6], [sflag:s22] =	dma.local [hbm:s4], s20  }
0x9e: {  	_ =	swait.ge [sflag:s22], s20  }
0x9f: {  	s3 =	ssub.s32 $0x0, s20;
	[sflag:s22] =	ssyncset.done $0x0  }
0xa0: {  	[sflag:s22] =	ssyncadd.s32 s3;
	_ =	sdelay $0x1  }
0xa1: {  	s23 =	simm.s32 $0x1B8B  }
0xa2: {  	_ =	swait.ge [sflag:s23], $0x1  }
0xa3: {  	[sflag:s23] =	ssyncset.done $0x0  }
0xa4: {  	s25 =	simm.s32 $0x1B8E;
	s24 =	sld [smem:$0x3FFE];
	[sflag:s23] =	ssyncadd.s32 $0xFFFFFFFF  }
0xa5: {  	s26 =	simm.s32 $execute0_lowered;
	[smem:$0x3FD2] =	sst s25  }
0xa6: {  	s4 =	sshll.u32 s26, $0x1;
	_ =	strace $0x80000046;
	[dreg:$0x1] =	wrdreg $0xFFFFFFFF  }
0xa7: {  	s28 =	simm.s32 $_size_execute0_lowered;
	s2 =	sadd.s32 s2, s4;
	[dreg:$0x0] =	wrdreg $0x0  }
0xa8: {  	s4 =	sshll.u32 s28, $0x1;
	[dreg:$0x2] =	wrdreg s2  }
0xa9: {  	[dreg:$0x3] =	wrdreg s4  }
0xaa: {  	[dreg:$0x4] =	wrdreg $0xC0  }
0xab: {  	_ =	task [dreg:s6], $0x5FFFF  }
0xac: {  	[dreg:$0x1] =	wrdreg $0xFFFFFFFF  }
0xad: {  	[dreg:$0x0] =	wrdreg $0x60  }
0xae: {  	[dreg:$0x2] =	wrdreg s24  }
0xaf: {  	[dreg:$0x3] =	wrdreg $0x9  }
0xb0: {  	_ =	task.clear_ibuf [dreg:s6], $0x4FFFF;
	_ =	strace $0x90000046  }
0xb1: {  	s29 =	simm.s32 $0x9;
	_ =	strace $0x80000048  }
0xb2: {  	_ =	swait.ge [sflag:s29], $0x1  }
0xb3: {  	[sflag:s29] =	ssyncadd.s32 $0xFFFFFFFF  }
0xb4: {  	_ =	strace $0x90000048  }
0xb5: {  	_ =	sfence  }
0xb6: {  	s30 =	sld [smem:$0x0];
	_ =	sdelay $0x2  }
0xb7: {  	s31 =	sshll.u32 s1, $0xD;
	s1 =	sshrl.u32 s1, $0x2  }
0xb8: {  	s3 =	sand.u32 $0x4000, s31;
	s1 =	sadd.s32 s1, s30  }
0xb9: {  	s0 =	sor.u32 s3, s0;
	s1 =	sshll.u32 s1, $0x11  }
0xba: {  	s0 =	sor.u32 s1, s0  }
0xbb: {  	s0 =	sadd.s32 $0x8F2B, s0  }
0xbc: {  	[sflag:s0] =	ssyncadd.remote.s32 $0x1  }
0xbd: {  	_ =	sfence.sel $0xFFFF  }
0xbe: {  	[dreg:$0x0] =	wrdreg $0xFFFFFFFF;
	(pc) =	sbr.abs _section_cstart, $3  }
0xbf: {  	[dreg:$0x1] =	wrdreg $0xFFFFFFFF  }
0xc0: {  	_ =	task.clear_ibuf [dreg:s6], $0x2FFFF;
	_ =	strace $0x9FFFFFFF  }
0xc1: {  	(tm) =	ssettm $0x7FFFFFFF  }
tec
execute0_lowered:
.L_overlay_start_1:
0x0: {  	(tag) =	ssettag $0x1  }
0x1: {  	s4 =	rddreg [dreg:$0x0]  }
0x2: {  	s0 =	rddreg [dreg:$0x1]  }
0x3: {  	s1 =	srdreg.scid;
	_ =	strace $0x80000047;
	s7 =	simm.s32 $0x2  }
0x4: {  	s9 =	simm.s32 $0x3;
	s13 =	simm.s32 $0x0;
	p0 =	por $0x0, $0x0  }
0x5: {  	s12 =	simm.s32 $0x0;
	s10 =	simm.s32 $0x0;
	s5 =	sshll.u32 s1, $0x4  }
.Ltmp0:
0x6: {  	s1 =	stileid.u32;
	s6 =	sand.u32 $0x10, s5;
	(pc) =	sbr.rel .LBB2_1-.Ltmp0, $4  }
0x7: {  	s2 =	sadd.s32 $0x7A4000, s4;
	s5 =	simm.s32 $0x1;
	s6 =	sor.u32 s1, s6  }
0x8: {  	s3 =	sadd.s32 $0x330400, s4;
	[sflag:s5] =	ssyncpa.u1 $0x0;
	s6 =	sshll.u32 s6, $0x6  }
0x9: {  	s4 =	sadd.s32 $0x10000, s4;
	[sflag:s7] =	ssyncpa.u1 $0x0;
	s8 =	sadd.s32 $0x40, s6  }
0xa: {  	v0 =	vimm.s32 $0x0;
	vm0 =	vmmov $0xffff;
	[sflag:s9] =	ssyncpa.u1 $0x0;
	s11 =	smov.u32 s6;
	s9 =	simm.s32 $0x0  }
.LBB2_10:
0xb: {  	s14 =	sadd.s32 $0x18, s10;
	s12 =	sadd.s32 $0x10, s11;
	s13 =	smov.u32 s11  }
0xc: {  	p2 =	slt.u32 s9, $0x2;
	s9 =	sadd.s32 $0x1, s9;
	p1 =	sgt.s32 s14, $0x2F  }
0xd: {  	s13 =	smov.u32 @p1 s12;
	s14 =	simm.s32 @p1 $0x0;
	p1 =	sne.s32 s9, $0xA  }
.Ltmp1:
0xe: {  	_ = 	snop;
	(pc) =	sbr.rel @!p1 .LBB2_11-.Ltmp1, $4  }
0xf: {  	s16 =	smov.u32 s6;
	p0 =	por !p0, !p0;
	s15 =	simm.s32 @!p2 $0x3  }
0x10: {  	_ =	swait.ge @!p2 [sflag:s15], $0xC000;
	s12 =	smov.u32 s11;
	p3 =	slt.s32 s13, s8  }
0x11: {  	[sflag:s15] =	ssyncset.done @!p2 $0x0;
	s16 =	smov.u32 @p3 s13;
	s13 =	smov.u32 s10  }
0x12: {  	[sflag:s15] =	ssyncadd.s32 @!p2 $0xFFFF4000;
	s10 =	smov.u32 s14;
	s11 =	smov.u32 s16  }
.LBB2_1:
0x13: {  	p1 =	sgt.u32 s9, $0x7  }
0x14: {  	s14 =	sxor.u32 @!p1 $0xFFFFFFFF, s9  }
0x15: {  	s15 =	sshrl.u32 @!p1 s11, $0x3;
	s14 =	sshll.u32 @!p1 s14, $0x4  }
0x16: {  	s16 =	sand.u32 @!p1 $0x7, s11;
	s15 =	sadd.s32 @!p1 s3, s15;
	s14 =	sand.u32 @!p1 $0x10, s14  }
0x17: {  	[tilespmem:s14], [sflag:$0x2] =	stream.linear.gather @!p1 [hbm4b:s15+s16], $0x10, $0x38;
	[tilespmem:$0x18020] =	vst v63  }
0x18: {  	p1 =	seq.s32 s9, $0x0  }
0x19: {  	p2 =	seq.s32 @!p1 s9, $0x9  }
0x1a: {  	p1 =	por p1, p2  }
.Ltmp2:
0x1b: {  	_ = 	snop;
	(pc) =	sbr.rel @p1 .LBB2_10-.Ltmp2, $1  }
0x1c: {  	_ =	sdelay $0x3  }
0x1d: {  	_ =	swait.ge [sflag:s7], $0x10  }
0x1e: {  	s14 =	sand.u32 $0x1, s9;
	[sflag:s7] =	ssyncset.done $0x0  }
0x1f: {  	s14 =	sshll.u32 s14, $0x4;
	[sflag:s7] =	ssyncadd.s32 $0xFFFFFFF0  }
0x20: {  	v1 =	vld.msk [tilespmem:s14+$0x0 ss:$0x1], $0xffff;
	_ =	sdelay $0x4  }
0x21: {  	v2 =	vshrl.u32 v1, $0x1  }
0x22: {  	v3 =	vshrl.u32 v1, $0x5;
	v4 =	vand.u32 $0x1, v1;
	v2 =	vand.u32 $0xF, v2  }
0x23: {  	v3 =	vand.u32 $0x7F, v3;
	vm1 =	veq.s32 v4, $0x1;
	v2 =	vmul.u32 $0x180000, v2  }
0x24: {  	v4 =	vsel vm1, $0x1800000, v0;
	v3 =	vmul.u32 $0x3000, v3  }
0x25: {  	s13 =	sshll.u32 s13, $0x4;
	v2 =	vadd.s32 v4, v2  }
0x26: {  	s14 =	sand.u32 $0xFFFFFF80, s13;
	v2 =	vadd.s32 v3, v2  }
0x27: {  	s16 =	sadd.s32 $0x40, s14;
	vm1 =	veq.s32 v1, $0x80000000;
	v1 =	vshrl.u32 v2, $0x4  }
0x28: {  	s13 =	simm.s32 $0x1;
	s15 =	sadd.s32 $0xFFFFFFC0, s16;
	v1 =	vsel vm1, $0xFE67D00, v1  }
0x29: {  	s13 =	simm.s32 @!p0 $0x0;
	v2 =	vadd.s32 s15, v1  }
0x2a: {  	s13 =	smul.u32 $0x30000, s13;
	_ =	sdelay $0x1  }
0x2b: {  	s13 =	sshrl.u32 s13, $0x2  }
0x2c: {  	s13 =	sor.u32 $0x20, s13  }
0x2d: {  	[tilespmem:s13], [sflag:$0x1] =	stream.indirect_vreg.gather [hbm:s2], $0x200, v2, vm0, $0x38;
	v2 =	vadd.s32 s16, v1;
	[tilespmem:$0x18020] =	vst v63  }
0x2e: {  	_ =	sdelay $0x2  }
0x2f: {  	s17 =	sadd.s32 $0x2000, s13;
	s15 =	simm.s32 $0xC0;
	s16 =	sadd.s32 $0x4000, s13  }
.LBB2_3:
0x30: {  	[tilespmem:s17], [sflag:$0x1] =	stream.indirect_vreg.gather [hbm:s2], $0x200, v2, vm0, $0x38;
	[tilespmem:$0x18020] =	vst v63  }
0x31: {  	s17 =	sadd.s32 s14, s15;
	p1 =	sne.s32 s15, $0x140;
	s15 =	sadd.s32 $0x80, s15  }
0x32: {  	s18 =	sadd.s32 $0xFFFFFFC0, s17  }
0x33: {  	v3 =	vadd.s32 s18, v1;
	_ =	sdelay $0x1  }
.Ltmp3:
0x34: {  	v2 =	vadd.s32 s17, v1;
	(pc) =	sbr.rel @p1 .LBB2_3-.Ltmp3, $3  }
0x35: {  	_ =	sdelay $0x1  }
0x36: {  	[tilespmem:s16], [sflag:$0x1] =	stream.indirect_vreg.gather [hbm:s2], $0x200, v3, vm0, $0x38;
	[tilespmem:$0x18020] =	vst v63  }
0x37: {  	s17 =	sadd.s32 $0x2000, s16;
	s16 =	sadd.s32 $0x4000, s16  }
0x38: {  	_ =	sdelay $0x3  }
0x39: {  	[tilespmem:s17], [sflag:$0x1] =	stream.indirect_vreg.gather [hbm:s2], $0x200, v2, vm0, $0x38;
	[tilespmem:$0x18020] =	vst v63  }
0x3a: {  	s12 =	smul.u32 $0x300, s12  }
0x3b: {  	_ =	swait.ge [sflag:s5], $0xC000  }
0x3c: {  	[sflag:s5] =	ssyncset.done $0x0;
	s12 =	sadd.s32 s12, s4  }
0x3d: {  	[sflag:s5] =	ssyncadd.s32 $0xFFFF4000;
	s12 =	sadd.s32 s14, s12;
	s14 =	simm.s32 $0x0  }
.LBB2_5:
0x3e: {  	p2 =	por $0x1, $0x1;
	s15 =	simm.s32 $0x0  }
.LBB2_6:
0x3f: {  	s16 =	sshll.u32 s15, $0xF  }
0x40: {  	s17 =	sshll.u32 s15, $0x6;
	s31 =	sshra.s32 s16, $0x2  }
0x41: {  	p1 =	por p2, p2;
	s16 =	sadd.s32 s17, s12;
	s15 =	sadd.s32 s31, s13  }
0x42: {  	s17 =	simm.s32 $0x300;
	s19 =	sadd.s32 $0x0, s16;
	s18 =	sadd.s32 $0x200, s15  }
.LBB2_7:
0x43: {  	[hbm:s19] =	stream.linear.scatter [tilespmem:s15], [sflag:$0x3], $0x200, $0x38;
	[tilespmem:$0x18020] =	vst v63  }
0x44: {  	s19 =	smov.u32 s17;
	s15 =	smov.u32 s18;
	p2 =	sne.s32 s17, $0x2D00  }
.Ltmp4:
0x45: {  	s17 =	sadd.s32 $0x300, s17;
	(pc) =	sbr.rel @p2 .LBB2_7-.Ltmp4, $2  }
0x46: {  	_ =	sdelay $0x2  }
0x47: {  	s18 =	sadd.s32 $0x200, s18;
	s19 =	sadd.s32 s19, s16  }
.Ltmp5:
0x48: {  	(pc) =	sbr.rel @p1 .LBB2_6-.Ltmp5, $3  }
0x49: {  	_ =	sdelay $0x1  }
0x4a: {  	[hbm:s19] =	stream.linear.scatter [tilespmem:s15], [sflag:$0x3], $0x200, $0x38;
	[tilespmem:$0x18020] =	vst v63  }
0x4b: {  	s15 =	simm.s32 $0x1;
	p2 =	por $0x0, $0x0  }
0x4c: {  	s14 =	sadd.s32 $0x1, s14  }
0x4d: {  	p1 =	sne.s32 s14, $0x3  }
.Ltmp6:
0x4e: {  	_ = 	snop;
	(pc) =	sbr.rel @p1 .LBB2_5-.Ltmp6, $4  }
.Ltmp7:
0x4f: {  	_ = 	snop;
	(pc) =	sbr.rel @!p1 .LBB2_10-.Ltmp7, $4  }
0x50: {  	_ = 	snop  }
0x51: {  	_ = 	snop  }
0x52: {  	s13 =	sadd.s32 $0x4000, s13;
	s12 =	sadd.s32 $0x80, s12  }
0x53: {  	_ = 	snop  }
.LBB2_11:
0x54: {  	_ =	sfence.sel $0x180000  }
0x55: {  	s2 =	simm.s32 $0x2;
	[bflag:$0x0] =	sbarrier.arrive $0xFFFF  }
0x56: {  	s30 =	simm.s32 $0x3;
	[sflag:s2] =	ssyncpa.u1 $0x1  }
0x57: {  	s31 =	simm.s32 $0x1;
	[sflag:s30] =	ssyncpa.u1 $0x1  }
0x58: {  	[sflag:s31] =	ssyncpa.u1 $0x1  }
0x59: {  	p0 =	sne.s32 s1, $0x0;
	_ =	strace $0x90000047  }
0x5a: {  	s0 =	sadd.s32 @!p0 $0x100000, s0;
	[bflag:$0x2] =	sbarrier.arrive $0xFFFF  }
0x5b: {  	[sflag:s0] =	ssyncadd.tile.s32 @!p0 $0x1;
	_ =	shalt  }
.Lfunc_end2:
_tile_overlayer_lowered:
.L_overlay_start_2:
0x5c: {  	(tag) =	ssettag $0x2  }
0x5d: {  	s0 =	rddreg [dreg:$0x0];
	s2 =	stileid.u32  }
0x5e: {  	s1 =	rddreg [dreg:$0x1];
	p0 =	sne.s32 s2, $0x0  }
0x5f: {  	s3 =	rddreg [dreg:$0x2];
	[bflag:$0x3] =	sbarrier.arrive $0xFFFF;
	s2 =	simm.s32 @!p0 $0x1C01  }
0x60: {  	[timem:s3], [sflag:s2] =	dma.local @!p0 [hbm:s0], s1  }
0x61: {  	s0 =	simm.s32 @!p0 $0x1  }
0x62: {  	_ =	swait.ge @!p0 [sflag:s0], s1  }
0x63: {  	s1 =	ssub.s32 @!p0 $0x0, s1;
	[sflag:s0] =	ssyncset.done @!p0 $0x0  }
0x64: {  	[sflag:s0] =	ssyncadd.s32 @!p0 s1  }
0x65: {  	[bflag:$0x3] =	sbarrier.arrive $0xFFFF  }
0x66: {  	_ =	shalt  }

// kernel: gather_offload_async_start.2
scs
__scs_entry_jumppad:
0x0: {  	(pc) =	sbr.rel $0x88, $3  }
0x1: {  	(tag) =	ssettag $0x0;
	lr =	simm.s32 $0x1  }
0x2: {  	[smem:$0x3F8A] =	sst lr;
	_ =	strace $0xD0000000  }
0x3: {  	_ = 	snop  }
0x4: {  	_ = 	snop  }
0x5: {  	_ = 	snop  }
0x6: {  	_ = 	snop  }
0x7: {  	_ = 	snop  }
__scs_overlays_trampoline_lowered:
0x8: {  	[smem:$0x3F99] =	sst s0  }
0x9: {  	[smem:$0x3F9A] =	sst s1  }
0xa: {  	[smem:$0x3F9B] =	sst s2  }
0xb: {  	[smem:$0x3F9C] =	sst s3  }
0xc: {  	[smem:$0x3F9D] =	sst s4  }
0xd: {  	[smem:$0x3F9E] =	sst s5  }
0xe: {  	[smem:$0x3F9F] =	sst s6  }
0xf: {  	[smem:$0x3FA0] =	sst s7  }
0x10: {  	[smem:$0x3FA1] =	sst s8  }
0x11: {  	[smem:$0x3FA2] =	sst s9;
	s0 =	simm.s32 @!p0 $0x0  }
0x12: {  	s1 =	sld [smem:$0x3F88];
	s0 =	simm.s32 @p0 $0x1  }
0x13: {  	[smem:$0x3FA3] =	sst s0;
	s0 =	simm.s32 @!p1 $0x0  }
0x14: {  	s2 =	sld [smem:$0x3F87];
	s0 =	simm.s32 @p1 $0x1  }
0x15: {  	[smem:$0x3FA4] =	sst s0;
	s0 =	simm.s32 @!p2 $0x0  }
0x16: {  	s3 =	sld [smem:$0x3FDB];
	s0 =	simm.s32 @p2 $0x1  }
0x17: {  	s4 =	simm.s32 $0x1BF5;
	[smem:$0x3FA6] =	sst s0  }
0x18: {  	s0 =	sld [smem:$0x3F89];
	_ =	swait.ge [sflag:s4], $0x0  }
0x19: {  	s7 =	sld [smem:$0x3F8A]  }
0x1a: {  	s8 =	sadd.s32 $0xFFFFE003, lr  }
0x1b: {  	s9 =	sadd.s32 $0xFFFFFEF7, lr;
	s5 =	simm.s32 $0xFFFFFFFF;
	p2 =	slt.u32 s8, $0xFFFFF086  }
0x1c: {  	p1 =	slt.u32 s9, $0xF7A;
	s5 =	simm.s32 @!p2 $0x0  }
0x1d: {  	s5 =	simm.s32 @p1 $0x1;
	p0 =	seq.s32 s7, s2  }
0x1e: {  	s7 =	smul.u32 @!p0 $0xF7A, s2;
	p2 =	seq.s32 @!p0 s5, $0x0  }
0x1f: {  	s9 =	smul.u32 $0xF7A, s1;
	s8 =	simm.s32 @!p0 $0x1BF5;
	p2 =	por !p2, p0  }
0x20: {  	[sflag:s8] =	ssyncset.s32 @!p0 $0xFFFFF086;
	s6 =	sadd.s32 @!p0 s3, s7;
	s7 =	simm.s32 @!p0 $0x108  }
0x21: {  	s3 =	sadd.s32 s3, s9;
	s6 =	sadd.s32 @!p0 $0x88, s6;
	s7 =	simm.s32 @p2 $0x1082  }
0x22: {  	[simem:s7], [sflag:s8] =	dma.local @!p0 [hbm:s6], $0xF7A  }
0x23: {  	s9 =	sor.u32 $0xD0000000, s2;
	s6 =	simm.s32 $0x108;
	_ =	swait.ge @!p0 [sflag:s8], $0x0  }
0x24: {  	s3 =	sadd.s32 $0x88, s3;
	s6 =	simm.s32 @!p1 $0x1082;
	[sflag:s4] =	ssyncset.s32 $0xFFFFF086  }
0x25: {  	[simem:s6], [sflag:s4] =	dma.local [hbm:s3], $0xF7A  }
0x26: {  	[smem:$0x3F8A] =	sst s1;
	(tag) =	ssettag s2;
	_ =	strace s9  }
0x27: {  	s1 =	sld [smem:$0x3F9A]  }
0x28: {  	s2 =	sld [smem:$0x3F9B]  }
0x29: {  	s4 =	sld [smem:$0x3F9D]  }
0x2a: {  	p0 =	seq.s32 s5, $0x0;
	s5 =	sld [smem:$0x3F9E]  }
0x2b: {  	s6 =	sld [smem:$0x3F9F]  }
0x2c: {  	s7 =	sld [smem:$0x3FA0]  }
0x2d: {  	s3 =	simm.s32 $0x108;
	s8 =	sld [smem:$0x3FA1]  }
0x2e: {  	s3 =	simm.s32 @!p0 $0x1082;
	s9 =	sld [smem:$0x3FA2]  }
0x2f: {  	lr =	sadd.s32 s0, s3;
	s0 =	sld [smem:$0x3F99]  }
0x30: {  	s3 =	sld [smem:$0x3F9C]  }
0x31: {  	[smem:$0x3FA5] =	sst s10  }
0x32: {  	s10 =	sld [smem:$0x3FA3];
	_ =	sdelay $0x3  }
0x33: {  	p0 =	seq.s32 s10, $0x1;
	s10 =	sld [smem:$0x3FA5];
	_ =	sdelay $0x3  }
0x34: {  	[smem:$0x3FA5] =	sst s10  }
0x35: {  	s10 =	sld [smem:$0x3FA4];
	_ =	sdelay $0x3  }
0x36: {  	p1 =	seq.s32 s10, $0x1;
	s10 =	sld [smem:$0x3FA5];
	_ =	sdelay $0x3  }
0x37: {  	[smem:$0x3FA5] =	sst s10  }
0x38: {  	s10 =	sld [smem:$0x3FA6]  }
0x39: {  	_ = 	snop;
	(pc) =	sbr.ind lr, $3  }
0x3a: {  	_ = 	snop  }
0x3b: {  	_ = 	snop  }
0x3c: {  	p2 =	seq.s32 s10, $0x1;
	s10 =	sld [smem:$0x3FA5]  }
0x3d: {  	_ =	shalt  }
0x3e: {  	_ =	shalt  }
0x3f: {  	_ =	shalt  }
0x40: {  	_ =	shalt  }
0x41: {  	_ =	shalt  }
0x42: {  	_ =	shalt  }
0x43: {  	_ =	shalt  }
0x44: {  	_ =	shalt  }
0x45: {  	_ =	shalt  }
0x46: {  	_ =	shalt  }
0x47: {  	_ =	shalt  }
0x48: {  	_ =	shalt  }
0x49: {  	_ =	shalt  }
0x4a: {  	_ =	shalt  }
0x4b: {  	_ =	shalt  }
0x4c: {  	_ =	shalt  }
0x4d: {  	_ =	shalt  }
0x4e: {  	_ =	shalt  }
0x4f: {  	_ =	shalt  }
0x50: {  	_ =	shalt  }
0x51: {  	_ =	shalt  }
0x52: {  	_ =	shalt  }
0x53: {  	_ =	shalt  }
0x54: {  	_ =	shalt  }
0x55: {  	_ =	shalt  }
0x56: {  	_ =	shalt  }
0x57: {  	_ =	shalt  }
0x58: {  	_ =	shalt  }
0x59: {  	_ =	shalt  }
0x5a: {  	_ =	shalt  }
0x5b: {  	_ =	shalt  }
0x5c: {  	_ =	shalt  }
0x5d: {  	_ =	shalt  }
0x5e: {  	_ =	shalt  }
0x5f: {  	_ =	shalt  }
0x60: {  	_ =	shalt  }
0x61: {  	_ =	shalt  }
0x62: {  	_ =	shalt  }
0x63: {  	_ =	shalt  }
0x64: {  	_ =	shalt  }
0x65: {  	_ =	shalt  }
0x66: {  	_ =	shalt  }
0x67: {  	_ =	shalt  }
0x68: {  	_ =	shalt  }
0x69: {  	_ =	shalt  }
0x6a: {  	_ =	shalt  }
0x6b: {  	_ =	shalt  }
0x6c: {  	_ =	shalt  }
0x6d: {  	_ =	shalt  }
0x6e: {  	_ =	shalt  }
0x6f: {  	_ =	shalt  }
0x70: {  	_ =	shalt  }
0x71: {  	_ =	shalt  }
0x72: {  	_ =	shalt  }
0x73: {  	_ =	shalt  }
0x74: {  	_ =	shalt  }
0x75: {  	_ =	shalt  }
0x76: {  	_ =	shalt  }
0x77: {  	_ =	shalt  }
0x78: {  	_ =	shalt  }
0x79: {  	_ =	shalt  }
0x7a: {  	_ =	shalt  }
0x7b: {  	_ =	shalt  }
0x7c: {  	_ =	shalt  }
0x7d: {  	_ =	shalt  }
0x7e: {  	_ =	shalt  }
0x7f: {  	_ =	shalt  }
0x80: {  	_ =	shalt  }
0x81: {  	_ =	shalt  }
0x82: {  	_ =	shalt  }
0x83: {  	_ =	shalt  }
0x84: {  	_ =	shalt  }
0x85: {  	_ =	shalt  }
0x86: {  	_ =	shalt  }
0x87: {  	_ =	shalt  }
.Lfunc_end0:
.L_simem_size_0:
called_computation.2_lowered:
.L_overlay_start_0:
0x88: {  	s2 =	sld [smem:$0x3FD9]  }
0x89: {  	s3 =	sld [smem:$0x3FFE];
	_ =	sdelay $0x1  }
0x8a: {  	s1 =	srdreg.scid  }
0x8b: {  	s0 =	sand.u32 $0x1, s1  }
0x8c: {  	s16 =	sshll.u32 s0, $0xA;
	s2 =	sadd.s32 s3, s2  }
0x8d: {  	s2 =	sadd.s32 s2, s16  }
0x8e: {  	[smem:$0x3FB1] =	sst s2  }
0x8f: {  	_ = 	snop  }
0x90: {  	(tm) =	ssettm $0x1  }
0x91: {  	s17 =	sld [smem:$0x3FFB];
	_ =	sdelay $0x3  }
0x92: {  	_ =	strace s17  }
0x93: {  	s2 =	sld [smem:$0x3FFC];
	_ =	sdelay $0x3  }
0x94: {  	_ =	strace s2  }
0x95: {  	s2 =	sld [smem:$0x3FFD];
	_ =	sdelay $0x3  }
0x96: {  	_ =	strace s2  }
0x97: {  	_ =	strace $0x8FFFFFFF  }
0x98: {  	s18 =	sld [smem:$0x3FDB];
	_ =	sdelay $0x1  }
0x99: {  	s19 =	simm.s32 $_scs_section_size  }
0x9a: {  	s4 =	simm.s32 $_size__tile_overlayer_lowered;
	s5 =	simm.s32 $_tile_overlayer_lowered  }
0x9b: {  	s22 =	simm.s32 $0x1BFF;
	s21 =	sshll.u32 s5, $0x1;
	s2 =	sadd.s32 s19, s18  }
0x9c: {  	s6 =	simm.s32 $0x0;
	s20 =	sshll.u32 s4, $0x1;
	s4 =	sadd.s32 s21, s2  }
0x9d: {  	[timem:s6], [sflag:s22] =	dma.local [hbm:s4], s20  }
0x9e: {  	_ =	swait.ge [sflag:s22], s20  }
0x9f: {  	s3 =	ssub.s32 $0x0, s20;
	[sflag:s22] =	ssyncset.done $0x0  }
0xa0: {  	[sflag:s22] =	ssyncadd.s32 s3;
	_ =	sdelay $0x1  }
0xa1: {  	s23 =	simm.s32 $0x1B8B  }
0xa2: {  	_ =	swait.ge [sflag:s23], $0x1  }
0xa3: {  	[sflag:s23] =	ssyncset.done $0x0  }
0xa4: {  	s25 =	simm.s32 $0x1B8E;
	s24 =	sld [smem:$0x3FFE];
	[sflag:s23] =	ssyncadd.s32 $0xFFFFFFFF  }
0xa5: {  	s26 =	simm.s32 $execute0_lowered;
	[smem:$0x3FD2] =	sst s25  }
0xa6: {  	s4 =	sshll.u32 s26, $0x1;
	_ =	strace $0x8000004C;
	[dreg:$0x1] =	wrdreg $0xFFFFFFFF  }
0xa7: {  	s28 =	simm.s32 $_size_execute0_lowered;
	s2 =	sadd.s32 s2, s4;
	[dreg:$0x0] =	wrdreg $0x0  }
0xa8: {  	s4 =	sshll.u32 s28, $0x1;
	[dreg:$0x2] =	wrdreg s2  }
0xa9: {  	[dreg:$0x3] =	wrdreg s4  }
0xaa: {  	[dreg:$0x4] =	wrdreg $0xC0  }
0xab: {  	_ =	task [dreg:s6], $0x5FFFF  }
0xac: {  	[dreg:$0x1] =	wrdreg $0xFFFFFFFF  }
0xad: {  	[dreg:$0x0] =	wrdreg $0x60  }
0xae: {  	[dreg:$0x2] =	wrdreg s24  }
0xaf: {  	[dreg:$0x3] =	wrdreg $0x9  }
0xb0: {  	_ =	task.clear_ibuf [dreg:s6], $0x4FFFF;
	_ =	strace $0x9000004C  }
0xb1: {  	s29 =	simm.s32 $0x9;
	_ =	strace $0x8000004E  }
0xb2: {  	_ =	swait.ge [sflag:s29], $0x1  }
0xb3: {  	[sflag:s29] =	ssyncadd.s32 $0xFFFFFFFF  }
0xb4: {  	_ =	strace $0x9000004E  }
0xb5: {  	_ =	sfence  }
0xb6: {  	s30 =	sld [smem:$0x0];
	_ =	sdelay $0x2  }
0xb7: {  	s31 =	sshll.u32 s1, $0xD;
	s1 =	sshrl.u32 s1, $0x2  }
0xb8: {  	s3 =	sand.u32 $0x4000, s31;
	s1 =	sadd.s32 s1, s30  }
0xb9: {  	s0 =	sor.u32 s3, s0;
	s1 =	sshll.u32 s1, $0x11  }
0xba: {  	s0 =	sor.u32 s1, s0  }
0xbb: {  	s0 =	sadd.s32 $0x8F2B, s0  }
0xbc: {  	[sflag:s0] =	ssyncadd.remote.s32 $0x1  }
0xbd: {  	_ =	sfence.sel $0xFFFF  }
0xbe: {  	[dreg:$0x0] =	wrdreg $0xFFFFFFFF;
	(pc) =	sbr.abs _section_cstart, $3  }
0xbf: {  	[dreg:$0x1] =	wrdreg $0xFFFFFFFF  }
0xc0: {  	_ =	task.clear_ibuf [dreg:s6], $0x2FFFF;
	_ =	strace $0x9FFFFFFF  }
0xc1: {  	(tm) =	ssettm $0x7FFFFFFF  }
tec
execute0_lowered:
.L_overlay_start_1:
0x0: {  	(tag) =	ssettag $0x1  }
0x1: {  	s0 =	srdreg.scid;
	s5 =	rddreg [dreg:$0x0]  }
0x2: {  	s1 =	stileid.u32;
	s6 =	simm.s32 $0x1;
	s9 =	simm.s32 $0x1  }
0x3: {  	s10 =	simm.s32 $0x3;
	s13 =	simm.s32 $0x0;
	s2 =	sshll.u32 s0, $0xC  }
0x4: {  	s12 =	simm.s32 $0x0;
	s3 =	sshll.u32 s1, $0xD;
	s4 =	sand.u32 $0x1000, s2  }
0x5: {  	s0 =	rddreg [dreg:$0x1];
	_ =	strace $0x8000004D;
	s3 =	sor.u32 s3, s4  }
0x6: {  	s2 =	sadd.s32 $0x270200, s5;
	[sflag:s6] =	ssyncpa.u1 $0x0;
	s8 =	ssub.s32 $0x40000, s3  }
.Ltmp0:
0x7: {  	s4 =	sadd.s32 $0x268200, s5;
	s7 =	sand.u32 $0x1F000, s8;
	(pc) =	sbr.rel .LBB2_1-.Ltmp0, $4  }
0x8: {  	s5 =	sadd.s32 $0x290200, s5;
	s11 =	smov.u32 s3;
	p0 =	sne.s32 s7, $0x0  }
0x9: {  	s8 =	sshrl.u32 s8, $0x11;
	s7 =	simm.s32 $0x2;
	s9 =	simm.s32 @!p0 $0x0  }
0xa: {  	[sflag:s7] =	ssyncpa.u1 $0x0;
	p0 =	por $0x0, $0x0;
	s8 =	sadd.s32 s9, s8  }
0xb: {  	vm0 =	vmmov $0xffff;
	[sflag:s10] =	ssyncpa.u1 $0x0;
	s10 =	simm.s32 $0x0;
	s9 =	sadd.s32 $0x1, s8  }
.LBB2_4:
0xc: {  	v6 =	vshrl.u32 v1, $0xD  }
0xd: {  	v4 =	vadd.s32 v5, v4;
	v3 =	vand.u32 $0x380, v3;
	v56 =	vshll.u32 v1, $0x7  }
0xe: {  	v57 =	vshll.u32 v1, $0xF;
	v58 =	vshll.u32 v1, $0x6;
	v3 =	vor.u32 v3, v4  }
0xf: {  	v5 =	vand.u32 $0xF0000, v56;
	v4 =	vand.u32 $0x8000, v57;
	v1 =	vand.u32 $0x7F80, v58  }
0x10: {  	v6 =	vand.u32 $0x3F, v6;
	v4 =	vor.u32 v4, v5;
	v1 =	vsel vm1, $0xFFFFFF80, v1  }
0x11: {  	v59 =	vsel vm1, $0xFFFFFFFF, v6;
	v4 =	vsel vm1, $0xFFFE8000, v4;
	v60 =	vand.u32 $0xFFFFFC00, v1  }
0x12: {  	v2 =	vand.u32 $0x7F, v2;
	v61 =	vand.u32 $0xFFFFFC00, v59;
	v4 =	vadd.s32 v60, v4  }
0x13: {  	v2 =	vor.u32 v2, v3;
	v1 =	vand.u32 $0x380, v1;
	v62 =	vadd.s32 v61, v4  }
0x14: {  	v63 =	vand.u32 $0x7F, v59;
	v1 =	vor.u32 v1, v62  }
0x15: {  	v1 =	vor.u32 v63, v1  }
0x16: {  	[tilespmem:s15], [sflag:$0x1] =	stream.indirect_vreg.gather [hbm4b:s2+s10], $0x1, v0, vm0, $0x4038;
	[tilespmem:$0x4000] =	vst v63  }
0x17: {  	(ifvalue) =	ssetifvalue $0x7FFFFFFF;
	s29 =	sadd.s32 $0x10, s15  }
0x18: {  	[tilespmem:s29], [sflag:$0x1] =	stream.indirect_vreg.gather [hbm4b:s2+s10], $0x1, v2, vm0, $0x4038;
	[tilespmem:$0x4000] =	vst v63  }
0x19: {  	s15 =	sadd.s32 $0x10, s29;
	(ifvalue) =	ssetifvalue $0x7FFFFFFF  }
0x1a: {  	[tilespmem:s15], [sflag:$0x1] =	stream.indirect_vreg.gather [hbm4b:s2+s10], $0x1, v1, vm0, $0x4038;
	[tilespmem:$0x4000] =	vst v63  }
0x1b: {  	_ =	swait.ge [sflag:s6], $0x1000  }
0x1c: {  	s30 =	sshrl.u32 s13, $0x3;
	[sflag:s6] =	ssyncset.done $0x0  }
0x1d: {  	s31 =	sand.u32 $0x7, s13;
	s15 =	sadd.s32 s5, s30;
	[sflag:s6] =	ssyncadd.s32 $0xFFFFF000  }
0x1e: {  	[hbm4b:s15+s31] =	stream.linear.scatter [tilespmem:s14], [sflag:$0x3], $0x1000, $0x38;
	[tilespmem:$0x4000] =	vst v63  }
.LBB2_5:
0x1f: {  	s15 =	sadd.s32 $0x20000, s11  }
0x20: {  	p2 =	sgt.s32 s15, $0x3FFFF  }
0x21: {  	s15 =	smov.u32 @p2 s3;
	p2 =	sne.s32 s12, s9  }
.Ltmp1:
0x22: {  	p1 =	slt.u32 s12, $0x2;
	(pc) =	sbr.rel @!p2 .LBB2_6-.Ltmp1, $4  }
0x23: {  	s14 =	simm.s32 @!p1 $0x3  }
0x24: {  	s16 =	sadd.s32 $0x1, s12;
	_ =	swait.ge @!p1 [sflag:s14], $0x1000  }
0x25: {  	s13 =	smov.u32 s11;
	p0 =	por !p0, !p0;
	[sflag:s14] =	ssyncset.done @!p1 $0x0  }
0x26: {  	s12 =	smov.u32 s16;
	s11 =	smov.u32 s15;
	[sflag:s14] =	ssyncadd.s32 @!p1 $0xFFFFF000  }
.LBB2_1:
0x27: {  	p1 =	sge.u32 s12, s8  }
0x28: {  	s14 =	sxor.u32 @!p1 $0xFFFFFFFF, s12  }
0x29: {  	s31 =	sadd.s32 $0xFFFFFFFF, s12;
	s15 =	sshrl.u32 @!p1 s11, $0x3;
	s14 =	sshll.u32 @!p1 s14, $0xC  }
0x2a: {  	s16 =	sand.u32 @!p1 $0x7, s11;
	s15 =	sadd.s32 @!p1 s4, s15;
	s14 =	sand.u32 @!p1 $0x1000, s14  }
0x2b: {  	[tilespmem:s14], [sflag:$0x2] =	stream.linear.gather @!p1 [hbm4b:s15+s16], $0x1000, $0x38;
	[tilespmem:$0x4000] =	vst v63  }
0x2c: {  	p1 =	sge.u32 s31, s8  }
.Ltmp2:
0x2d: {  	_ = 	snop;
	(pc) =	sbr.rel @p1 .LBB2_5-.Ltmp2, $1  }
0x2e: {  	_ =	sdelay $0x3  }
0x2f: {  	s14 =	simm.s32 $0x1  }
0x30: {  	_ =	swait.ge [sflag:s7], $0x1000;
	s14 =	simm.s32 @!p0 $0x0  }
0x31: {  	[sflag:s7] =	ssyncset.done $0x0;
	s14 =	sshll.u32 s14, $0xC  }
0x32: {  	[sflag:s7] =	ssyncadd.s32 $0xFFFFF000;
	(ifvalue) =	ssetifvalue $0x7FFFFFFF;
	v0 =	vld.msk [tilespmem:s14+$0x0 ss:$0x1], $0xffff;
	_ =	sdelay $0x3  }
0x33: {  	s15 =	sadd.s32 $0x10, s14  }
0x34: {  	v2 =	vld.msk [tilespmem:s15+$0x0 ss:$0x1], $0xffff;
	vm1 =	veq.s32 v0, $0x80000000;
	v1 =	vshrl.u32 v0, $0xD  }
0x35: {  	v3 =	vshll.u32 v0, $0x7;
	v4 =	vshll.u32 v0, $0xF;
	v0 =	vshll.u32 v0, $0x6  }
0x36: {  	v3 =	vand.u32 $0xF0000, v3;
	v4 =	vand.u32 $0x8000, v4;
	v0 =	vand.u32 $0x7F80, v0  }
0x37: {  	v1 =	vand.u32 $0x3F, v1;
	v3 =	vor.u32 v4, v3;
	v0 =	vsel vm1, $0xFFFFFF80, v0  }
0x38: {  	v4 =	vsel vm1, $0xFFFFFFFF, v1;
	v1 =	vsel vm1, $0xFFFE8000, v3;
	v3 =	vand.u32 $0xFFFFFC00, v0  }
0x39: {  	v5 =	vshrl.u32 v2, $0xD;
	v1 =	vadd.s32 v3, v1;
	v3 =	vand.u32 $0xFFFFFC00, v4  }
0x3a: {  	s17 =	sadd.s32 $0x10, s15;
	v6 =	vshll.u32 v2, $0x7;
	v0 =	vand.u32 $0x380, v0;
	v3 =	vadd.s32 v3, v1  }
0x3b: {  	vm1 =	veq.s32 v2, $0x80000000;
	v4 =	vand.u32 $0x7F, v4;
	v1 =	vld.msk [tilespmem:s17+$0x0 ss:$0x1], $0xffff;
	v0 =	vor.u32 v0, v3  }
0x3c: {  	v3 =	vshll.u32 v2, $0xF;
	v2 =	vshll.u32 v2, $0x6;
	v0 =	vor.u32 v4, v0  }
0x3d: {  	s31 =	sshll.u32 s12, $0xC;
	v4 =	vand.u32 $0xF0000, v6;
	v3 =	vand.u32 $0x8000, v3;
	v2 =	vand.u32 $0x7F80, v2  }
0x3e: {  	s16 =	sand.u32 $0x1000, s31;
	v5 =	vand.u32 $0x3F, v5;
	v4 =	vor.u32 v3, v4;
	v3 =	vsel vm1, $0xFFFFFF80, v2  }
0x3f: {  	s15 =	sor.u32 $0x2000, s14;
	s14 =	sor.u32 $0x2000, s16;
	v2 =	vsel vm1, $0xFFFFFFFF, v5;
	v4 =	vsel vm1, $0xFFFE8000, v4;
	v5 =	vand.u32 $0xFFFFFC00, v3  }
0x40: {  	s16 =	simm.s32 $0x20;
	s17 =	sadd.s32 $0x10, s17;
	(ifvalue) =	ssetifvalue $0x7FFFFFFF;
	vm1 =	veq.s32 v1, $0x80000000;
	v4 =	vadd.s32 v5, v4;
	v5 =	vand.u32 $0xFFFFFC00, v2  }
.LBB2_3:
0x41: {  	v6 =	vld.msk [tilespmem:s17+$0x0 ss:$0x1], $0xffff;
	[tilespmem:s15], [sflag:$0x1] =	stream.indirect_vreg.gather [hbm4b:s2+s10], $0x1, v0, vm0, $0x4038  }
0x42: {  	v7 =	vshrl.u32 v1, $0xD;
	v4 =	vadd.s32 v5, v4;
	v3 =	vand.u32 $0x380, v3;
	s16 =	sadd.s32 $0x10, s16  }
0x43: {  	v5 =	vshll.u32 v1, $0x7;
	v0 =	vand.u32 $0x7F, v2;
	v2 =	vor.u32 v3, v4;
	p1 =	slt.u32 s16, $0xFF0  }
.Ltmp3:
0x44: {  	v3 =	vshll.u32 v1, $0xF;
	v1 =	vshll.u32 v1, $0x6;
	v0 =	vor.u32 v0, v2;
	(pc) =	sbr.rel @p1 .LBB2_3-.Ltmp3, $4  }
0x45: {  	v2 =	vand.u32 $0xF0000, v5;
	v3 =	vand.u32 $0x8000, v3;
	v1 =	vand.u32 $0x7F80, v1  }
0x46: {  	v4 =	vand.u32 $0x3F, v7;
	v5 =	vor.u32 v3, v2;
	v3 =	vsel vm1, $0xFFFFFF80, v1  }
0x47: {  	v2 =	vsel vm1, $0xFFFFFFFF, v4;
	v7 =	vsel vm1, $0xFFFE8000, v5;
	v4 =	vand.u32 $0xFFFFFC00, v3  }
0x48: {  	s17 =	sadd.s32 $0x10, s17;
	s15 =	sadd.s32 $0x10, s15;
	v5 =	vand.u32 $0xFFFFFC00, v2;
	vm1 =	veq.s32 v6, $0x80000000;
	v4 =	vadd.s32 v4, v7;
	v1 =	vmovc v6;
	(ifvalue) =	ssetifvalue $0x7FFFFFFF  }
.Ltmp4:
0x49: {  	_ = 	snop;
	(pc) =	sbr.rel .LBB2_4-.Ltmp4, $1  }
0x4a: {  	_ =	sdelay $0x3  }
.LBB2_6:
0x4b: {  	_ =	sfence.sel $0x180000  }
0x4c: {  	s2 =	simm.s32 $0x2;
	[bflag:$0x0] =	sbarrier.arrive $0xFFFF  }
0x4d: {  	s30 =	simm.s32 $0x3;
	[sflag:s2] =	ssyncpa.u1 $0x1  }
0x4e: {  	s31 =	simm.s32 $0x1;
	[sflag:s30] =	ssyncpa.u1 $0x1  }
0x4f: {  	[sflag:s31] =	ssyncpa.u1 $0x1  }
0x50: {  	p0 =	sne.s32 s1, $0x0;
	_ =	strace $0x9000004D  }
0x51: {  	s0 =	sadd.s32 @!p0 $0x100000, s0;
	[bflag:$0x2] =	sbarrier.arrive $0xFFFF  }
0x52: {  	[sflag:s0] =	ssyncadd.tile.s32 @!p0 $0x1;
	_ =	shalt  }
.Lfunc_end2:
_tile_overlayer_lowered:
.L_overlay_start_2:
0x53: {  	(tag) =	ssettag $0x2  }
0x54: {  	s0 =	rddreg [dreg:$0x0];
	s2 =	stileid.u32  }
0x55: {  	s1 =	rddreg [dreg:$0x1];
	p0 =	sne.s32 s2, $0x0  }
0x56: {  	s3 =	rddreg [dreg:$0x2];
	[bflag:$0x3] =	sbarrier.arrive $0xFFFF;
	s2 =	simm.s32 @!p0 $0x1C01  }
0x57: {  	[timem:s3], [sflag:s2] =	dma.local @!p0 [hbm:s0], s1  }
0x58: {  	s0 =	simm.s32 @!p0 $0x1  }
0x59: {  	_ =	swait.ge @!p0 [sflag:s0], s1  }
0x5a: {  	s1 =	ssub.s32 @!p0 $0x0, s1;
	[sflag:s0] =	ssyncset.done @!p0 $0x0  }
0x5b: {  	[sflag:s0] =	ssyncadd.s32 @!p0 s1  }
0x5c: {  	[bflag:$0x3] =	sbarrier.arrive $0xFFFF  }
0x5d: {  	_ =	shalt  }

// kernel: gather_offload_async_start
scs
__scs_entry_jumppad:
0x0: {  	(pc) =	sbr.rel $0x88, $3  }
0x1: {  	(tag) =	ssettag $0x0;
	lr =	simm.s32 $0x1  }
0x2: {  	[smem:$0x3F8A] =	sst lr;
	_ =	strace $0xD0000000  }
0x3: {  	_ = 	snop  }
0x4: {  	_ = 	snop  }
0x5: {  	_ = 	snop  }
0x6: {  	_ = 	snop  }
0x7: {  	_ = 	snop  }
__scs_overlays_trampoline_lowered:
0x8: {  	[smem:$0x3F99] =	sst s0  }
0x9: {  	[smem:$0x3F9A] =	sst s1  }
0xa: {  	[smem:$0x3F9B] =	sst s2  }
0xb: {  	[smem:$0x3F9C] =	sst s3  }
0xc: {  	[smem:$0x3F9D] =	sst s4  }
0xd: {  	[smem:$0x3F9E] =	sst s5  }
0xe: {  	[smem:$0x3F9F] =	sst s6  }
0xf: {  	[smem:$0x3FA0] =	sst s7  }
0x10: {  	[smem:$0x3FA1] =	sst s8  }
0x11: {  	[smem:$0x3FA2] =	sst s9;
	s0 =	simm.s32 @!p0 $0x0  }
0x12: {  	s1 =	sld [smem:$0x3F88];
	s0 =	simm.s32 @p0 $0x1  }
0x13: {  	[smem:$0x3FA3] =	sst s0;
	s0 =	simm.s32 @!p1 $0x0  }
0x14: {  	s2 =	sld [smem:$0x3F87];
	s0 =	simm.s32 @p1 $0x1  }
0x15: {  	[smem:$0x3FA4] =	sst s0;
	s0 =	simm.s32 @!p2 $0x0  }
0x16: {  	s3 =	sld [smem:$0x3FDB];
	s0 =	simm.s32 @p2 $0x1  }
0x17: {  	s4 =	simm.s32 $0x1BF5;
	[smem:$0x3FA6] =	sst s0  }
0x18: {  	s0 =	sld [smem:$0x3F89];
	_ =	swait.ge [sflag:s4], $0x0  }
0x19: {  	s7 =	sld [smem:$0x3F8A]  }
0x1a: {  	s8 =	sadd.s32 $0xFFFFE003, lr  }
0x1b: {  	s9 =	sadd.s32 $0xFFFFFEF7, lr;
	s5 =	simm.s32 $0xFFFFFFFF;
	p2 =	slt.u32 s8, $0xFFFFF086  }
0x1c: {  	p1 =	slt.u32 s9, $0xF7A;
	s5 =	simm.s32 @!p2 $0x0  }
0x1d: {  	s5 =	simm.s32 @p1 $0x1;
	p0 =	seq.s32 s7, s2  }
0x1e: {  	s7 =	smul.u32 @!p0 $0xF7A, s2;
	p2 =	seq.s32 @!p0 s5, $0x0  }
0x1f: {  	s9 =	smul.u32 $0xF7A, s1;
	s8 =	simm.s32 @!p0 $0x1BF5;
	p2 =	por !p2, p0  }
0x20: {  	[sflag:s8] =	ssyncset.s32 @!p0 $0xFFFFF086;
	s6 =	sadd.s32 @!p0 s3, s7;
	s7 =	simm.s32 @!p0 $0x108  }
0x21: {  	s3 =	sadd.s32 s3, s9;
	s6 =	sadd.s32 @!p0 $0x88, s6;
	s7 =	simm.s32 @p2 $0x1082  }
0x22: {  	[simem:s7], [sflag:s8] =	dma.local @!p0 [hbm:s6], $0xF7A  }
0x23: {  	s9 =	sor.u32 $0xD0000000, s2;
	s6 =	simm.s32 $0x108;
	_ =	swait.ge @!p0 [sflag:s8], $0x0  }
0x24: {  	s3 =	sadd.s32 $0x88, s3;
	s6 =	simm.s32 @!p1 $0x1082;
	[sflag:s4] =	ssyncset.s32 $0xFFFFF086  }
0x25: {  	[simem:s6], [sflag:s4] =	dma.local [hbm:s3], $0xF7A  }
0x26: {  	[smem:$0x3F8A] =	sst s1;
	(tag) =	ssettag s2;
	_ =	strace s9  }
0x27: {  	s1 =	sld [smem:$0x3F9A]  }
0x28: {  	s2 =	sld [smem:$0x3F9B]  }
0x29: {  	s4 =	sld [smem:$0x3F9D]  }
0x2a: {  	p0 =	seq.s32 s5, $0x0;
	s5 =	sld [smem:$0x3F9E]  }
0x2b: {  	s6 =	sld [smem:$0x3F9F]  }
0x2c: {  	s7 =	sld [smem:$0x3FA0]  }
0x2d: {  	s3 =	simm.s32 $0x108;
	s8 =	sld [smem:$0x3FA1]  }
0x2e: {  	s3 =	simm.s32 @!p0 $0x1082;
	s9 =	sld [smem:$0x3FA2]  }
0x2f: {  	lr =	sadd.s32 s0, s3;
	s0 =	sld [smem:$0x3F99]  }
0x30: {  	s3 =	sld [smem:$0x3F9C]  }
0x31: {  	[smem:$0x3FA5] =	sst s10  }
0x32: {  	s10 =	sld [smem:$0x3FA3];
	_ =	sdelay $0x3  }
0x33: {  	p0 =	seq.s32 s10, $0x1;
	s10 =	sld [smem:$0x3FA5];
	_ =	sdelay $0x3  }
0x34: {  	[smem:$0x3FA5] =	sst s10  }
0x35: {  	s10 =	sld [smem:$0x3FA4];
	_ =	sdelay $0x3  }
0x36: {  	p1 =	seq.s32 s10, $0x1;
	s10 =	sld [smem:$0x3FA5];
	_ =	sdelay $0x3  }
0x37: {  	[smem:$0x3FA5] =	sst s10  }
0x38: {  	s10 =	sld [smem:$0x3FA6]  }
0x39: {  	_ = 	snop;
	(pc) =	sbr.ind lr, $3  }
0x3a: {  	_ = 	snop  }
0x3b: {  	_ = 	snop  }
0x3c: {  	p2 =	seq.s32 s10, $0x1;
	s10 =	sld [smem:$0x3FA5]  }
0x3d: {  	_ =	shalt  }
0x3e: {  	_ =	shalt  }
0x3f: {  	_ =	shalt  }
0x40: {  	_ =	shalt  }
0x41: {  	_ =	shalt  }
0x42: {  	_ =	shalt  }
0x43: {  	_ =	shalt  }
0x44: {  	_ =	shalt  }
0x45: {  	_ =	shalt  }
0x46: {  	_ =	shalt  }
0x47: {  	_ =	shalt  }
0x48: {  	_ =	shalt  }
0x49: {  	_ =	shalt  }
0x4a: {  	_ =	shalt  }
0x4b: {  	_ =	shalt  }
0x4c: {  	_ =	shalt  }
0x4d: {  	_ =	shalt  }
0x4e: {  	_ =	shalt  }
0x4f: {  	_ =	shalt  }
0x50: {  	_ =	shalt  }
0x51: {  	_ =	shalt  }
0x52: {  	_ =	shalt  }
0x53: {  	_ =	shalt  }
0x54: {  	_ =	shalt  }
0x55: {  	_ =	shalt  }
0x56: {  	_ =	shalt  }
0x57: {  	_ =	shalt  }
0x58: {  	_ =	shalt  }
0x59: {  	_ =	shalt  }
0x5a: {  	_ =	shalt  }
0x5b: {  	_ =	shalt  }
0x5c: {  	_ =	shalt  }
0x5d: {  	_ =	shalt  }
0x5e: {  	_ =	shalt  }
0x5f: {  	_ =	shalt  }
0x60: {  	_ =	shalt  }
0x61: {  	_ =	shalt  }
0x62: {  	_ =	shalt  }
0x63: {  	_ =	shalt  }
0x64: {  	_ =	shalt  }
0x65: {  	_ =	shalt  }
0x66: {  	_ =	shalt  }
0x67: {  	_ =	shalt  }
0x68: {  	_ =	shalt  }
0x69: {  	_ =	shalt  }
0x6a: {  	_ =	shalt  }
0x6b: {  	_ =	shalt  }
0x6c: {  	_ =	shalt  }
0x6d: {  	_ =	shalt  }
0x6e: {  	_ =	shalt  }
0x6f: {  	_ =	shalt  }
0x70: {  	_ =	shalt  }
0x71: {  	_ =	shalt  }
0x72: {  	_ =	shalt  }
0x73: {  	_ =	shalt  }
0x74: {  	_ =	shalt  }
0x75: {  	_ =	shalt  }
0x76: {  	_ =	shalt  }
0x77: {  	_ =	shalt  }
0x78: {  	_ =	shalt  }
0x79: {  	_ =	shalt  }
0x7a: {  	_ =	shalt  }
0x7b: {  	_ =	shalt  }
0x7c: {  	_ =	shalt  }
0x7d: {  	_ =	shalt  }
0x7e: {  	_ =	shalt  }
0x7f: {  	_ =	shalt  }
0x80: {  	_ =	shalt  }
0x81: {  	_ =	shalt  }
0x82: {  	_ =	shalt  }
0x83: {  	_ =	shalt  }
0x84: {  	_ =	shalt  }
0x85: {  	_ =	shalt  }
0x86: {  	_ =	shalt  }
0x87: {  	_ =	shalt  }
.Lfunc_end0:
.L_simem_size_0:
called_computation_lowered:
.L_overlay_start_0:
0x88: {  	s2 =	sld [smem:$0x3FD9]  }
0x89: {  	s3 =	sld [smem:$0x3FFE];
	_ =	sdelay $0x1  }
0x8a: {  	s1 =	srdreg.scid  }
0x8b: {  	s0 =	sand.u32 $0x1, s1  }
0x8c: {  	s16 =	sshll.u32 s0, $0xA;
	s2 =	sadd.s32 s3, s2  }
0x8d: {  	s2 =	sadd.s32 s2, s16  }
0x8e: {  	[smem:$0x3FB1] =	sst s2  }
0x8f: {  	_ = 	snop  }
0x90: {  	(tm) =	ssettm $0x1  }
0x91: {  	s17 =	sld [smem:$0x3FFB];
	_ =	sdelay $0x3  }
0x92: {  	_ =	strace s17  }
0x93: {  	s2 =	sld [smem:$0x3FFC];
	_ =	sdelay $0x3  }
0x94: {  	_ =	strace s2  }
0x95: {  	s2 =	sld [smem:$0x3FFD];
	_ =	sdelay $0x3  }
0x96: {  	_ =	strace s2  }
0x97: {  	_ =	strace $0x8FFFFFFF  }
0x98: {  	s18 =	sld [smem:$0x3FDB];
	_ =	sdelay $0x1  }
0x99: {  	s19 =	simm.s32 $_scs_section_size  }
0x9a: {  	s4 =	simm.s32 $_size__tile_overlayer_lowered;
	s5 =	simm.s32 $_tile_overlayer_lowered  }
0x9b: {  	s22 =	simm.s32 $0x1BFF;
	s21 =	sshll.u32 s5, $0x1;
	s2 =	sadd.s32 s19, s18  }
0x9c: {  	s6 =	simm.s32 $0x0;
	s20 =	sshll.u32 s4, $0x1;
	s4 =	sadd.s32 s21, s2  }
0x9d: {  	[timem:s6], [sflag:s22] =	dma.local [hbm:s4], s20  }
0x9e: {  	_ =	swait.ge [sflag:s22], s20  }
0x9f: {  	s3 =	ssub.s32 $0x0, s20;
	[sflag:s22] =	ssyncset.done $0x0  }
0xa0: {  	[sflag:s22] =	ssyncadd.s32 s3;
	_ =	sdelay $0x1  }
0xa1: {  	s23 =	simm.s32 $0x1B8B  }
0xa2: {  	_ =	swait.ge [sflag:s23], $0x1  }
0xa3: {  	[sflag:s23] =	ssyncset.done $0x0  }
0xa4: {  	s25 =	simm.s32 $0x1B8E;
	s24 =	sld [smem:$0x3FFE];
	[sflag:s23] =	ssyncadd.s32 $0xFFFFFFFF  }
0xa5: {  	s26 =	simm.s32 $execute0_lowered;
	[smem:$0x3FD2] =	sst s25  }
0xa6: {  	s4 =	sshll.u32 s26, $0x1;
	_ =	strace $0x80000049;
	[dreg:$0x1] =	wrdreg $0xFFFFFFFF  }
0xa7: {  	s28 =	simm.s32 $_size_execute0_lowered;
	s2 =	sadd.s32 s2, s4;
	[dreg:$0x0] =	wrdreg $0x0  }
0xa8: {  	s4 =	sshll.u32 s28, $0x1;
	[dreg:$0x2] =	wrdreg s2  }
0xa9: {  	[dreg:$0x3] =	wrdreg s4  }
0xaa: {  	[dreg:$0x4] =	wrdreg $0xC0  }
0xab: {  	_ =	task [dreg:s6], $0x5FFFF  }
0xac: {  	[dreg:$0x1] =	wrdreg $0xFFFFFFFF  }
0xad: {  	[dreg:$0x0] =	wrdreg $0x60  }
0xae: {  	[dreg:$0x2] =	wrdreg s24  }
0xaf: {  	[dreg:$0x3] =	wrdreg $0x9  }
0xb0: {  	_ =	task.clear_ibuf [dreg:s6], $0x4FFFF;
	_ =	strace $0x90000049  }
0xb1: {  	s29 =	simm.s32 $0x9;
	_ =	strace $0x8000004B  }
0xb2: {  	_ =	swait.ge [sflag:s29], $0x1  }
0xb3: {  	[sflag:s29] =	ssyncadd.s32 $0xFFFFFFFF  }
0xb4: {  	_ =	strace $0x9000004B  }
0xb5: {  	_ =	sfence  }
0xb6: {  	s30 =	sld [smem:$0x0];
	_ =	sdelay $0x2  }
0xb7: {  	s31 =	sshll.u32 s1, $0xD;
	s1 =	sshrl.u32 s1, $0x2  }
0xb8: {  	s3 =	sand.u32 $0x4000, s31;
	s1 =	sadd.s32 s1, s30  }
0xb9: {  	s0 =	sor.u32 s3, s0;
	s1 =	sshll.u32 s1, $0x11  }
0xba: {  	s0 =	sor.u32 s1, s0  }
0xbb: {  	s0 =	sadd.s32 $0x8F2B, s0  }
0xbc: {  	[sflag:s0] =	ssyncadd.remote.s32 $0x1  }
0xbd: {  	_ =	sfence.sel $0xFFFF  }
0xbe: {  	[dreg:$0x0] =	wrdreg $0xFFFFFFFF;
	(pc) =	sbr.abs _section_cstart, $3  }
0xbf: {  	[dreg:$0x1] =	wrdreg $0xFFFFFFFF  }
0xc0: {  	_ =	task.clear_ibuf [dreg:s6], $0x2FFFF;
	_ =	strace $0x9FFFFFFF  }
0xc1: {  	(tm) =	ssettm $0x7FFFFFFF  }
tec
execute0_lowered:
.L_overlay_start_1:
0x0: {  	(tag) =	ssettag $0x1  }
0x1: {  	s2 =	rddreg [dreg:$0x0]  }
0x2: {  	s0 =	rddreg [dreg:$0x1]  }
0x3: {  	s1 =	srdreg.scid;
	_ =	strace $0x8000004A;
	s4 =	simm.s32 $0x1  }
0x4: {  	s9 =	simm.s32 $0x3;
	s12 =	simm.s32 $0x0;
	s5 =	sshll.u32 s1, $0x4  }
.Ltmp0:
0x5: {  	s1 =	stileid.u32;
	s5 =	sand.u32 $0x10, s5;
	(pc) =	sbr.rel .LBB2_1-.Ltmp0, $4  }
0x6: {  	s10 =	simm.s32 $0x0;
	s3 =	sadd.s32 $0x330400, s2;
	s6 =	sor.u32 s1, s5  }
0x7: {  	[sflag:s4] =	ssyncpa.u1 $0x0;
	s5 =	simm.s32 $0x2;
	s6 =	sshll.u32 s6, $0x6  }
0x8: {  	s7 =	sadd.s32 $0x25C000, s2;
	[sflag:s5] =	ssyncpa.u1 $0x0;
	s8 =	sadd.s32 $0x40, s6  }
0x9: {  	vm0 =	vmmov $0xff;
	vm1 =	vcmask $0x3F20;
	[sflag:s9] =	ssyncpa.u1 $0x0;
	s9 =	simm.s32 $0x40;
	s11 =	smov.u32 s6  }
.LBB2_9:
0xa: {  	p0 =	seq.s32 s10, $0x2  }
.Ltmp1:
0xb: {  	_ = 	snop;
	(pc) =	sbr.rel @p0 .LBB2_11-.Ltmp1, $1  }
0xc: {  	_ =	sdelay $0x3  }
.LBB2_10:
0xd: {  	s12 =	sadd.s32 $0x40, s11  }
0xe: {  	s13 =	smov.u32 s6;
	p0 =	slt.s32 s12, s8  }
0xf: {  	s13 =	smov.u32 @p0 s12  }
0x10: {  	s10 =	sadd.s32 $0x1, s10;
	s12 =	smov.u32 s11;
	s11 =	smov.u32 s13  }
.LBB2_1:
0x11: {  	p0 =	sne.s32 s10, $0x0  }
.Ltmp2:
0x12: {  	_ = 	snop;
	(pc) =	sbr.rel @!p0 .LBB2_2-.Ltmp2, $1  }
0x13: {  	_ =	sdelay $0x3  }
0x14: {  	s13 =	sand.u32 $0x1, s10  }
0x15: {  	p0 =	seq.s32 s13, $0x0  }
.Ltmp3:
0x16: {  	_ = 	snop;
	(pc) =	sbr.rel @p0 .LBB2_9-.Ltmp3, $1  }
0x17: {  	_ =	sdelay $0x3  }
0x18: {  	_ =	swait.ge [sflag:s5], $0x40  }
0x19: {  	[sflag:s5] =	ssyncset.done $0x0  }
0x1a: {  	s13 =	simm.s32 $0x0;
	[sflag:s5] =	ssyncadd.s32 $0xFFFFFFC0  }
0x1b: {  	v0 =	vld.msk [tilespmem:s13+$0x40 ss:$0x1], $0xffff;
	_ =	sdelay $0x4  }
0x1c: {  	vm2 =	veq.s32 v0, $0x80000000  }
0x1d: {  	v1 =	vshll.u32 v0, $0x12;
	v2 =	vshll.u32 v0, $0xD;
	v0 =	vshll.u32 v0, $0x2  }
0x1e: {  	v1 =	vand.u32 $0x40000, v1;
	v2 =	vand.u32 $0x3C000, v2;
	v0 =	vand.u32 $0x3F80, v0  }
0x1f: {  	v1 =	vor.u32 v2, v1;
	v0 =	vsel vm2, $0xFFFFFF80, v0  }
0x20: {  	v1 =	vsel vm2, $0xFFFBC000, v1;
	v2 =	vand.u32 $0xFFFFFC00, v0  }
0x21: {  	v0 =	vand.u32 $0x380, v0;
	v1 =	vadd.s32 v2, v1  }
0x22: {  	v0 =	vor.u32 v0, v1  }
0x23: {  	v0 =	vshrl.u32 v0, $0x3;
	_ =	sdelay $0x3  }
0x24: {  	s13 =	simm.s32 $0x2080  }
0x25: {  	[tilespmem:s13], [sflag:$0x1] =	stream.indirect_vreg.gather [hbm:s2], $0x80, v0, vm0, $0x38;
	[tilespmem:$0x4080] =	vst v63  }
0x26: {  	s14 =	simm.s32 $0x2480;
	s31 =	simm.s32 $0x10  }
0x27: {  	[tilespmem:s14], [sflag:$0x1] =	stream.indirect_vreg.gather [hbm:s2], $0x80, v0, vm1, $0x38;
	[tilespmem:$0x4080] =	vst v63  }
0x28: {  	s14 =	simm.s32 $0x80;
	v0 =	vld.msk [tilespmem:s31+$0x40 ss:$0x1], $0xffff  }
.LBB2_5:
0x29: {  	p0 =	sne.s32 s14, $0xC0;
	_ =	sdelay $0x4  }
0x2a: {  	vm2 =	veq.s32 v0, $0x80000000  }
0x2b: {  	v1 =	vshll.u32 v0, $0x12;
	v2 =	vshll.u32 v0, $0xD;
	v0 =	vshll.u32 v0, $0x2  }
0x2c: {  	v1 =	vand.u32 $0x40000, v1;
	v2 =	vand.u32 $0x3C000, v2;
	v0 =	vand.u32 $0x3F80, v0  }
0x2d: {  	v1 =	vor.u32 v2, v1;
	v0 =	vsel vm2, $0xFFFFFF80, v0  }
0x2e: {  	v1 =	vsel vm2, $0xFFFBC000, v1;
	v2 =	vand.u32 $0xFFFFFC00, v0  }
0x2f: {  	v0 =	vand.u32 $0x380, v0;
	v1 =	vadd.s32 v2, v1  }
0x30: {  	v0 =	vor.u32 v0, v1  }
0x31: {  	v0 =	vshrl.u32 v0, $0x3;
	_ =	sdelay $0x3  }
.Ltmp4:
0x32: {  	s13 =	sadd.s32 $0x800, s13;
	(pc) =	sbr.rel @p0 .LBB2_5-.Ltmp4, $4  }
0x33: {  	[tilespmem:s13], [sflag:$0x1] =	stream.indirect_vreg.gather [hbm:s2], $0x80, v0, vm0, $0x38;
	[tilespmem:$0x4080] =	vst v63  }
0x34: {  	s15 =	sshra.s32 s14, $0x2;
	s16 =	sadd.s32 $0x400, s13  }
0x35: {  	[tilespmem:s16], [sflag:$0x1] =	stream.indirect_vreg.gather [hbm:s2], $0x80, v0, vm1, $0x38;
	[tilespmem:$0x4080] =	vst v63  }
0x36: {  	s14 =	sadd.s32 $0x40, s14;
	v0 =	vld.msk [tilespmem:s15+$0x40 ss:$0x1], $0xffff  }
0x37: {  	_ =	sdelay $0x3  }
0x38: {  	vm2 =	veq.s32 v0, $0x80000000  }
0x39: {  	v1 =	vshll.u32 v0, $0x12;
	v2 =	vshll.u32 v0, $0xD;
	v62 =	vshll.u32 v0, $0x2  }
0x3a: {  	v1 =	vand.u32 $0x40000, v1;
	v2 =	vand.u32 $0x3C000, v2;
	v0 =	vand.u32 $0x3F80, v62  }
0x3b: {  	v1 =	vor.u32 v2, v1;
	v0 =	vsel vm2, $0xFFFFFF80, v0  }
0x3c: {  	v1 =	vsel vm2, $0xFFFBC000, v1;
	v63 =	vand.u32 $0xFFFFFC00, v0  }
0x3d: {  	v0 =	vand.u32 $0x380, v0;
	v1 =	vadd.s32 v63, v1  }
0x3e: {  	v0 =	vor.u32 v0, v1  }
0x3f: {  	v0 =	vshrl.u32 v0, $0x3;
	_ =	sdelay $0x3  }
0x40: {  	s13 =	sadd.s32 $0x800, s13  }
0x41: {  	[tilespmem:s13], [sflag:$0x1] =	stream.indirect_vreg.gather [hbm:s2], $0x80, v0, vm0, $0x38;
	[tilespmem:$0x4080] =	vst v63  }
0x42: {  	s13 =	sadd.s32 $0x400, s13  }
0x43: {  	[tilespmem:s13], [sflag:$0x1] =	stream.indirect_vreg.gather [hbm:s2], $0x80, v0, vm1, $0x38;
	[tilespmem:$0x4080] =	vst v63  }
0x44: {  	s12 =	sshll.u32 s12, $0x4;
	s14 =	simm.s32 $0x80;
	_ =	swait.ge [sflag:s4], $0x2000  }
0x45: {  	s15 =	simm.s32 $0x2480;
	s12 =	sadd.s32 s12, s7;
	[sflag:s4] =	ssyncset.done $0x0  }
0x46: {  	s16 =	sadd.s32 $0x0, s12;
	s13 =	simm.s32 $0x2080;
	[sflag:s4] =	ssyncadd.s32 $0xFFFFE000  }
.LBB2_7:
0x47: {  	[hbm:s16] =	stream.linear.scatter [tilespmem:s13], [sflag:$0x3], $0x400, $0x38;
	[tilespmem:$0x4080] =	vst v63  }
0x48: {  	s16 =	smov.u32 s14;
	s13 =	smov.u32 s15;
	p0 =	sne.s32 s14, $0x380  }
.Ltmp5:
0x49: {  	s14 =	sadd.s32 $0x80, s14;
	(pc) =	sbr.rel @p0 .LBB2_7-.Ltmp5, $2  }
0x4a: {  	_ =	sdelay $0x2  }
0x4b: {  	s15 =	sadd.s32 $0x400, s15;
	s16 =	sadd.s32 s16, s12  }
.Ltmp6:
0x4c: {  	(pc) =	sbr.rel .LBB2_9-.Ltmp6, $2  }
0x4d: {  	_ =	sdelay $0x2  }
0x4e: {  	[hbm:s16] =	stream.linear.scatter [tilespmem:s13], [sflag:$0x3], $0x400, $0x38;
	[tilespmem:$0x4080] =	vst v63  }
.LBB2_2:
.Ltmp7:
0x4f: {  	(pc) =	sbr.rel .LBB2_10-.Ltmp7, $4  }
0x50: {  	_ = 	snop  }
0x51: {  	s12 =	sshrl.u32 s11, $0x3  }
0x52: {  	s13 =	sand.u32 $0x7, s11;
	s12 =	sadd.s32 s3, s12  }
0x53: {  	[tilespmem:s9], [sflag:$0x2] =	stream.linear.gather [hbm4b:s12+s13], $0x40, $0x38;
	[tilespmem:$0x4080] =	vst v63  }
.LBB2_11:
0x54: {  	s2 =	simm.s32 $0x3  }
0x55: {  	_ =	swait.ge [sflag:s2], $0x2000  }
0x56: {  	[sflag:s2] =	ssyncset.done $0x0  }
0x57: {  	[sflag:s2] =	ssyncadd.s32 $0xFFFFE000  }
0x58: {  	_ =	sfence.sel $0x180000  }
0x59: {  	s3 =	simm.s32 $0x2;
	[bflag:$0x0] =	sbarrier.arrive $0xFFFF  }
0x5a: {  	[sflag:s3] =	ssyncpa.u1 $0x1  }
0x5b: {  	s31 =	simm.s32 $0x1;
	[sflag:s2] =	ssyncpa.u1 $0x1  }
0x5c: {  	[sflag:s31] =	ssyncpa.u1 $0x1  }
0x5d: {  	p0 =	sne.s32 s1, $0x0;
	_ =	strace $0x9000004A  }
0x5e: {  	s0 =	sadd.s32 @!p0 $0x100000, s0;
	[bflag:$0x2] =	sbarrier.arrive $0xFFFF  }
0x5f: {  	[sflag:s0] =	ssyncadd.tile.s32 @!p0 $0x1;
	_ =	shalt  }
.Lfunc_end2:
_tile_overlayer_lowered:
.L_overlay_start_2:
0x60: {  	(tag) =	ssettag $0x2  }
0x61: {  	s0 =	rddreg [dreg:$0x0];
	s2 =	stileid.u32  }
0x62: {  	s1 =	rddreg [dreg:$0x1];
	p0 =	sne.s32 s2, $0x0  }
0x63: {  	s3 =	rddreg [dreg:$0x2];
	[bflag:$0x3] =	sbarrier.arrive $0xFFFF;
	s2 =	simm.s32 @!p0 $0x1C01  }
0x64: {  	[timem:s3], [sflag:s2] =	dma.local @!p0 [hbm:s0], s1  }
0x65: {  	s0 =	simm.s32 @!p0 $0x1  }
0x66: {  	_ =	swait.ge @!p0 [sflag:s0], s1  }
0x67: {  	s1 =	ssub.s32 @!p0 $0x0, s1;
	[sflag:s0] =	ssyncset.done @!p0 $0x0  }
0x68: {  	[sflag:s0] =	ssyncadd.s32 @!p0 s1  }
0x69: {  	[bflag:$0x3] =	sbarrier.arrive $0xFFFF  }
0x6a: {  	_ =	shalt  }

</sc_bundles>
